<compile_context>
chip_gen: v7x
topology: tpu7x:2x2x1
jax: 0.10.2.dev20260603
libtpu: 0.0.44.dev20260713+nightly
codegen_flags: <defaults>
</compile_context>

<pallas_src>
import functools

import jax
import jax.numpy as jnp
from jax import lax
from jax.experimental import pallas as pl
from jax.experimental.pallas import tpu as pltpu
from jax.experimental.pallas import tpu_sc as plsc

NUM_CLASSES = 100000
FEAT_DIM = 128
BATCH = 16384

NC = 2
NS = 16
L = 16
NW = NC * NS
BW = BATCH // NW
CHUNK = 128
NCHUNK = BW // CHUNK
NBUF = 3
SLICES = FEAT_DIM // L


def _sc_partials(inputs_r, labels_r, centers):
  mesh = plsc.VectorSubcoreMesh(core_axis_name="c", subcore_axis_name="s")

  @functools.partial(
      pl.kernel,
      mesh=mesh,
      out_type=jax.ShapeDtypeStruct((NW, L), jnp.float32),
      scratch_types=[
          pltpu.VMEM((NCHUNK, CHUNK), jnp.int32),
          pltpu.VMEM((NBUF, CHUNK, FEAT_DIM), jnp.float32),
          pltpu.VMEM((NBUF, CHUNK, FEAT_DIM), jnp.float32),
          pltpu.VMEM((L,), jnp.float32),
          pltpu.SemaphoreType.DMA,
          pltpu.SemaphoreType.DMA,
          pltpu.SemaphoreType.DMA,
          pltpu.SemaphoreType.DMA,
          pltpu.SemaphoreType.DMA,
          pltpu.SemaphoreType.DMA,
      ],
  )
  def k(in_hbm, lab_hbm, ctr_hbm, out_hbm, idx_v, c_v, x_v, p_v,
        sg0, sg1, sg2, si0, si1, si2):
    wid = lax.axis_index("s") * NC + lax.axis_index("c")

    gsems = (sg0, sg1, sg2)
    isems = (si0, si1, si2)

    pltpu.sync_copy(lab_hbm.at[wid], idx_v)
    gh = []
    ih = []
    for c in range(NBUF):
      gh.append(pltpu.async_copy(ctr_hbm.at[idx_v.at[c]], c_v.at[c % NBUF],
                                 gsems[c % NBUF]))
      ih.append(pltpu.async_copy(in_hbm.at[wid, c], x_v.at[c % NBUF],
                                 isems[c % NBUF]))

    def chunk_sum(buf):
      zero = jnp.zeros((L,), jnp.float32)

      @plsc.parallel_loop(0, CHUNK, unroll=4, carry=(zero,) * SLICES)
      def accs(i, accs):
        out = []
        for j in range(SLICES):
          x = x_v[buf, i, pl.ds(j * L, L)]
          c = c_v[buf, i, pl.ds(j * L, L)]
          d = x - c
          sq = jnp.minimum(jnp.maximum(d * d, 1e-12), 1e12)
          out.append(accs[j] + sq)
        return tuple(out)

      t = accs[0]
      for j in range(1, SLICES):
        t = t + accs[j]
      return t

    total = jnp.zeros((L,), jnp.float32)
    for c in range(NCHUNK):
      gh[c].wait()
      ih[c].wait()
      total = total + chunk_sum(c % NBUF)
      if c + NBUF < NCHUNK:
        gh.append(pltpu.async_copy(ctr_hbm.at[idx_v.at[c + NBUF]],
                                   c_v.at[c % NBUF], gsems[c % NBUF]))
        ih.append(pltpu.async_copy(in_hbm.at[wid, c + NBUF],
                                   x_v.at[c % NBUF], isems[c % NBUF]))

    p_v[...] = total * jnp.float32(1.0 / BATCH)
    pltpu.sync_copy(p_v, out_hbm.at[wid])

  return k(inputs_r, labels_r, centers)


def kernel(inputs, labels, centers):
  inputs_r = inputs.reshape(NW, NCHUNK, CHUNK, FEAT_DIM)
  labels_r = labels.astype(jnp.int32).reshape(NW, NCHUNK, CHUNK)
  partials = _sc_partials(inputs_r, labels_r, centers)
  return jnp.sum(partials)

# --- scband reference (transcript-rebuilt; emitter-appended) ---
"""Pipeline reference for scband-my-center-loss-51702816309722 (READ-ONLY COPY).

The authoritative reference and input builder live on the scoring server;
editing this copy changes nothing except your own understanding.
"""

import jax, jax.numpy as jnp
import numpy as np

NUM_CLASSES = 100000
FEAT_DIM = 128
BATCH = 16384


def setup_inputs(seed: int = 0) -> dict:
    key = jax.random.key(seed)
    k1, k2 = jax.random.split(key)
    inputs = jax.random.normal(k1, (BATCH, FEAT_DIM), dtype=jnp.float32)
    labels = jax.random.randint(k2, (BATCH,), 0, NUM_CLASSES, dtype=jnp.int64)
    # centers parameter initialized to ones, per torch module __init__
    centers = jnp.ones((NUM_CLASSES, FEAT_DIM), dtype=jnp.float32)
    return {"inputs": inputs, "labels": labels, "centers": centers}


def reference(inputs, labels, centers):
    # size_average=True -> divide by batch_size
    batch_size = inputs.shape[0]
    gathered = jnp.take(centers, labels, axis=0)  # gather rows of centers
    difference = inputs - gathered
    sq = jnp.clip(jnp.square(difference), 1e-12, 1e12)
    loss = jnp.sum(sq) / batch_size
    return loss

if __name__ == "__main__":
    import jax
    _d = setup_inputs()
    print(jax.jit(kernel)(*tuple(_d.values())))

</pallas_src>

<mosaic_0001>
#map = affine_map<(d0, d1) -> (0, 0, 0, 0)>
#map1 = affine_map<(d0, d1) -> (0, 0, 0)>
#map2 = affine_map<(d0, d1) -> (0, 0)>
module attributes {stable_mosaic.version = 14 : i64} {
  func.func @k(%arg0: i32, %arg1: i32, %arg2: memref<32x4x128x128xf32, #tpu.memory_space<hbm>>, %arg3: memref<32x4x128xi32, #tpu.memory_space<hbm>>, %arg4: memref<100000x128xf32, #tpu.memory_space<hbm>>, %arg5: memref<32x16xf32, #tpu.memory_space<hbm>>, %arg6: memref<4x128xi32, #tpu.memory_space<vmem>>, %arg7: memref<3x128x128xf32, #tpu.memory_space<vmem>>, %arg8: memref<3x128x128xf32, #tpu.memory_space<vmem>>, %arg9: memref<16xf32, #tpu.memory_space<vmem>>, %arg10: memref<!tpu.dma_semaphore, #tpu.memory_space<semaphore_mem>>, %arg11: memref<!tpu.dma_semaphore, #tpu.memory_space<semaphore_mem>>, %arg12: memref<!tpu.dma_semaphore, #tpu.memory_space<semaphore_mem>>, %arg13: memref<!tpu.dma_semaphore, #tpu.memory_space<semaphore_mem>>, %arg14: memref<!tpu.dma_semaphore, #tpu.memory_space<semaphore_mem>>, %arg15: memref<!tpu.dma_semaphore, #tpu.memory_space<semaphore_mem>>) attributes {dimension_semantics = [#tpu.dimension_semantics<core_parallel>, #tpu.dimension_semantics<subcore_parallel>], iteration_bounds = array<i64: 2, 16>, scalar_prefetch = 0 : i64, scratch_operands = 10 : i64, tpu.core_type = #tpu.core_type<sc_vector_subcore>, window_params = [{transform_indices = #map}, {transform_indices = #map1}, {transform_indices = #map2}, {transform_indices = #map2}]} {
    %mul3A = arith.constant 2 : i32
    %mul3A_0 = arith.muli %arg1, %mul3A : i32
    %add3A = arith.addi %mul3A_0, %arg0 : i32
    "tpu.region"() ({
      %run_scoped3A = tpu.sem_alloc : memref<!tpu.dma_semaphore, #tpu.memory_space<semaphore_mem>>
      %dma_start3A_301 = arith.constant 0 : i32
      %dma_start3A_302 = arith.constant 0 : i32
      %dma_start3A_303 = tpu.memref_slice %arg3[%add3A, %dma_start3A_301, %dma_start3A_302] : memref<32x4x128xi32, #tpu.memory_space<hbm>> -> memref<1x4x128xi32, #tpu.memory_space<hbm>>
      %dma_start3A_304 = tpu.memref_squeeze %dma_start3A_303 : memref<1x4x128xi32, #tpu.memory_space<hbm>> -> memref<4x128xi32, #tpu.memory_space<hbm>>
      %dma_start3A_305 = arith.constant 0 : i32
      %dma_start3A_306 = arith.constant 0 : i32
      %dma_start3A_307 = tpu.memref_slice %arg3[%add3A, %dma_start3A_305, %dma_start3A_306] : memref<32x4x128xi32, #tpu.memory_space<hbm>> -> memref<1x4x128xi32, #tpu.memory_space<hbm>>
      %dma_start3A_308 = tpu.memref_squeeze %dma_start3A_307 : memref<1x4x128xi32, #tpu.memory_space<hbm>> -> memref<4x128xi32, #tpu.memory_space<hbm>>
      tpu.enqueue_dma source(%dma_start3A_308 : memref<4x128xi32, #tpu.memory_space<hbm>>) target(%arg6 : memref<4x128xi32, #tpu.memory_space<vmem>>) target_semaphore(%run_scoped3A : memref<!tpu.dma_semaphore, #tpu.memory_space<semaphore_mem>>)
      %dma_wait3A_309 = arith.constant 0 : i32
      %dma_wait3A_310 = arith.constant 0 : i32
      %dma_wait3A_311 = tpu.memref_slice %arg3[%add3A, %dma_wait3A_309, %dma_wait3A_310] : memref<32x4x128xi32, #tpu.memory_space<hbm>> -> memref<1x4x128xi32, #tpu.memory_space<hbm>>
      %dma_wait3A_312 = tpu.memref_squeeze %dma_wait3A_311 : memref<1x4x128xi32, #tpu.memory_space<hbm>> -> memref<4x128xi32, #tpu.memory_space<hbm>>
      %dma_wait3A_313 = arith.constant 0 : i32
      %dma_wait3A_314 = arith.constant 0 : i32
      %dma_wait3A_315 = tpu.memref_slice %arg3[%add3A, %dma_wait3A_313, %dma_wait3A_314] : memref<32x4x128xi32, #tpu.memory_space<hbm>> -> memref<1x4x128xi32, #tpu.memory_space<hbm>>
      %dma_wait3A_316 = tpu.memref_squeeze %dma_wait3A_315 : memref<1x4x128xi32, #tpu.memory_space<hbm>> -> memref<4x128xi32, #tpu.memory_space<hbm>>
      tpu.wait_dma2 semaphore(%run_scoped3A : memref<!tpu.dma_semaphore, #tpu.memory_space<semaphore_mem>>) src(%dma_wait3A_316 : memref<4x128xi32, #tpu.memory_space<hbm>>) dst(%arg6 : memref<4x128xi32, #tpu.memory_space<vmem>>)
      tpu.yield
    }) : () -> ()
    %dma_start3A = arith.constant 0 : i32
    %dma_start3A_1 = arith.constant 0 : i32
    %dma_start3A_2 = arith.constant 0 : i32
    %dma_start3A_3 = arith.constant 0 : i32
    %dma_start3A_4 = tpu.memref_slice %arg7[%dma_start3A_1, %dma_start3A_2, %dma_start3A_3] : memref<3x128x128xf32, #tpu.memory_space<vmem>> -> memref<1x128x128xf32, #tpu.memory_space<vmem>>
    %dma_start3A_5 = tpu.memref_squeeze %dma_start3A_4 : memref<1x128x128xf32, #tpu.memory_space<vmem>> -> memref<128x128xf32, #tpu.memory_space<vmem>>
    %dma_start3A_6 = arith.constant 0 : i32
    %dma_start3A_7 = tpu.memref_slice %arg6[%dma_start3A, %dma_start3A_6] : memref<4x128xi32, #tpu.memory_space<vmem>> -> memref<1x128xi32, #tpu.memory_space<vmem>>
    %dma_start3A_8 = tpu.memref_squeeze %dma_start3A_7 : memref<1x128xi32, #tpu.memory_space<vmem>> -> memref<128xi32, #tpu.memory_space<vmem>>
    %dma_start3A_9 = arith.constant 0 : i32
    %dma_start3A_10 = arith.constant 0 : i32
    %dma_start3A_11 = tpu.memref_slice %arg4[%dma_start3A_9, %dma_start3A_10] : memref<100000x128xf32, #tpu.memory_space<hbm>> -> memref<100000x128xf32, #tpu.memory_space<hbm>>
    tpu.enqueue_indirect_dma source(%dma_start3A_11 : memref<100000x128xf32, #tpu.memory_space<hbm>>) target(%dma_start3A_5 : memref<128x128xf32, #tpu.memory_space<vmem>>) offsets(%dma_start3A_8 : memref<128xi32, #tpu.memory_space<vmem>>) semaphore(%arg10 : memref<!tpu.dma_semaphore, #tpu.memory_space<semaphore_mem>>)
    %dma_start3A_12 = arith.constant 0 : i32
    %dma_start3A_13 = arith.constant 0 : i32
    %dma_start3A_14 = arith.constant 0 : i32
    %dma_start3A_15 = arith.constant 0 : i32
    %dma_start3A_16 = tpu.memref_slice %arg8[%dma_start3A_13, %dma_start3A_14, %dma_start3A_15] : memref<3x128x128xf32, #tpu.memory_space<vmem>> -> memref<1x128x128xf32, #tpu.memory_space<vmem>>
    %dma_start3A_17 = tpu.memref_squeeze %dma_start3A_16 : memref<1x128x128xf32, #tpu.memory_space<vmem>> -> memref<128x128xf32, #tpu.memory_space<vmem>>
    %dma_start3A_18 = arith.constant 0 : i32
    %dma_start3A_19 = arith.constant 0 : i32
    %dma_start3A_20 = tpu.memref_slice %arg2[%add3A, %dma_start3A_12, %dma_start3A_18, %dma_start3A_19] : memref<32x4x128x128xf32, #tpu.memory_space<hbm>> -> memref<1x1x128x128xf32, #tpu.memory_space<hbm>>
    %dma_start3A_21 = tpu.memref_squeeze %dma_start3A_20 : memref<1x1x128x128xf32, #tpu.memory_space<hbm>> -> memref<128x128xf32, #tpu.memory_space<hbm>>
    %dma_start3A_22 = arith.constant 0 : i32
    %dma_start3A_23 = arith.constant 0 : i32
    %dma_start3A_24 = tpu.memref_slice %arg8[%dma_start3A_13, %dma_start3A_22, %dma_start3A_23] : memref<3x128x128xf32, #tpu.memory_space<vmem>> -> memref<1x128x128xf32, #tpu.memory_space<vmem>>
    %dma_start3A_25 = tpu.memref_squeeze %dma_start3A_24 : memref<1x128x128xf32, #tpu.memory_space<vmem>> -> memref<128x128xf32, #tpu.memory_space<vmem>>
    %dma_start3A_26 = arith.constant 0 : i32
    %dma_start3A_27 = arith.constant 0 : i32
    %dma_start3A_28 = tpu.memref_slice %arg2[%add3A, %dma_start3A_12, %dma_start3A_26, %dma_start3A_27] : memref<32x4x128x128xf32, #tpu.memory_space<hbm>> -> memref<1x1x128x128xf32, #tpu.memory_space<hbm>>
    %dma_start3A_29 = tpu.memref_squeeze %dma_start3A_28 : memref<1x1x128x128xf32, #tpu.memory_space<hbm>> -> memref<128x128xf32, #tpu.memory_space<hbm>>
    tpu.enqueue_dma source(%dma_start3A_29 : memref<128x128xf32, #tpu.memory_space<hbm>>) target(%dma_start3A_25 : memref<128x128xf32, #tpu.memory_space<vmem>>) target_semaphore(%arg13 : memref<!tpu.dma_semaphore, #tpu.memory_space<semaphore_mem>>)
    %dma_start3A_30 = arith.constant 1 : i32
    %dma_start3A_31 = arith.constant 1 : i32
    %dma_start3A_32 = arith.constant 0 : i32
    %dma_start3A_33 = arith.constant 0 : i32
    %dma_start3A_34 = tpu.memref_slice %arg7[%dma_start3A_31, %dma_start3A_32, %dma_start3A_33] : memref<3x128x128xf32, #tpu.memory_space<vmem>> -> memref<1x128x128xf32, #tpu.memory_space<vmem>>
    %dma_start3A_35 = tpu.memref_squeeze %dma_start3A_34 : memref<1x128x128xf32, #tpu.memory_space<vmem>> -> memref<128x128xf32, #tpu.memory_space<vmem>>
    %dma_start3A_36 = arith.constant 0 : i32
    %dma_start3A_37 = tpu.memref_slice %arg6[%dma_start3A_30, %dma_start3A_36] : memref<4x128xi32, #tpu.memory_space<vmem>> -> memref<1x128xi32, #tpu.memory_space<vmem>>
    %dma_start3A_38 = tpu.memref_squeeze %dma_start3A_37 : memref<1x128xi32, #tpu.memory_space<vmem>> -> memref<128xi32, #tpu.memory_space<vmem>>
    %dma_start3A_39 = arith.constant 0 : i32
    %dma_start3A_40 = arith.constant 0 : i32
    %dma_start3A_41 = tpu.memref_slice %arg4[%dma_start3A_39, %dma_start3A_40] : memref<100000x128xf32, #tpu.memory_space<hbm>> -> memref<100000x128xf32, #tpu.memory_space<hbm>>
    tpu.enqueue_indirect_dma source(%dma_start3A_41 : memref<100000x128xf32, #tpu.memory_space<hbm>>) target(%dma_start3A_35 : memref<128x128xf32, #tpu.memory_space<vmem>>) offsets(%dma_start3A_38 : memref<128xi32, #tpu.memory_space<vmem>>) semaphore(%arg11 : memref<!tpu.dma_semaphore, #tpu.memory_space<semaphore_mem>>)
    %dma_start3A_42 = arith.constant 1 : i32
    %dma_start3A_43 = arith.constant 1 : i32
    %dma_start3A_44 = arith.constant 0 : i32
    %dma_start3A_45 = arith.constant 0 : i32
    %dma_start3A_46 = tpu.memref_slice %arg8[%dma_start3A_43, %dma_start3A_44, %dma_start3A_45] : memref<3x128x128xf32, #tpu.memory_space<vmem>> -> memref<1x128x128xf32, #tpu.memory_space<vmem>>
    %dma_start3A_47 = tpu.memref_squeeze %dma_start3A_46 : memref<1x128x128xf32, #tpu.memory_space<vmem>> -> memref<128x128xf32, #tpu.memory_space<vmem>>
    %dma_start3A_48 = arith.constant 0 : i32
    %dma_start3A_49 = arith.constant 0 : i32
    %dma_start3A_50 = tpu.memref_slice %arg2[%add3A, %dma_start3A_42, %dma_start3A_48, %dma_start3A_49] : memref<32x4x128x128xf32, #tpu.memory_space<hbm>> -> memref<1x1x128x128xf32, #tpu.memory_space<hbm>>
    %dma_start3A_51 = tpu.memref_squeeze %dma_start3A_50 : memref<1x1x128x128xf32, #tpu.memory_space<hbm>> -> memref<128x128xf32, #tpu.memory_space<hbm>>
    %dma_start3A_52 = arith.constant 0 : i32
    %dma_start3A_53 = arith.constant 0 : i32
    %dma_start3A_54 = tpu.memref_slice %arg8[%dma_start3A_43, %dma_start3A_52, %dma_start3A_53] : memref<3x128x128xf32, #tpu.memory_space<vmem>> -> memref<1x128x128xf32, #tpu.memory_space<vmem>>
    %dma_start3A_55 = tpu.memref_squeeze %dma_start3A_54 : memref<1x128x128xf32, #tpu.memory_space<vmem>> -> memref<128x128xf32, #tpu.memory_space<vmem>>
    %dma_start3A_56 = arith.constant 0 : i32
    %dma_start3A_57 = arith.constant 0 : i32
    %dma_start3A_58 = tpu.memref_slice %arg2[%add3A, %dma_start3A_42, %dma_start3A_56, %dma_start3A_57] : memref<32x4x128x128xf32, #tpu.memory_space<hbm>> -> memref<1x1x128x128xf32, #tpu.memory_space<hbm>>
    %dma_start3A_59 = tpu.memref_squeeze %dma_start3A_58 : memref<1x1x128x128xf32, #tpu.memory_space<hbm>> -> memref<128x128xf32, #tpu.memory_space<hbm>>
    tpu.enqueue_dma source(%dma_start3A_59 : memref<128x128xf32, #tpu.memory_space<hbm>>) target(%dma_start3A_55 : memref<128x128xf32, #tpu.memory_space<vmem>>) target_semaphore(%arg14 : memref<!tpu.dma_semaphore, #tpu.memory_space<semaphore_mem>>)
    %dma_start3A_60 = arith.constant 2 : i32
    %dma_start3A_61 = arith.constant 2 : i32
    %dma_start3A_62 = arith.constant 0 : i32
    %dma_start3A_63 = arith.constant 0 : i32
    %dma_start3A_64 = tpu.memref_slice %arg7[%dma_start3A_61, %dma_start3A_62, %dma_start3A_63] : memref<3x128x128xf32, #tpu.memory_space<vmem>> -> memref<1x128x128xf32, #tpu.memory_space<vmem>>
    %dma_start3A_65 = tpu.memref_squeeze %dma_start3A_64 : memref<1x128x128xf32, #tpu.memory_space<vmem>> -> memref<128x128xf32, #tpu.memory_space<vmem>>
    %dma_start3A_66 = arith.constant 0 : i32
    %dma_start3A_67 = tpu.memref_slice %arg6[%dma_start3A_60, %dma_start3A_66] : memref<4x128xi32, #tpu.memory_space<vmem>> -> memref<1x128xi32, #tpu.memory_space<vmem>>
    %dma_start3A_68 = tpu.memref_squeeze %dma_start3A_67 : memref<1x128xi32, #tpu.memory_space<vmem>> -> memref<128xi32, #tpu.memory_space<vmem>>
    %dma_start3A_69 = arith.constant 0 : i32
    %dma_start3A_70 = arith.constant 0 : i32
    %dma_start3A_71 = tpu.memref_slice %arg4[%dma_start3A_69, %dma_start3A_70] : memref<100000x128xf32, #tpu.memory_space<hbm>> -> memref<100000x128xf32, #tpu.memory_space<hbm>>
    tpu.enqueue_indirect_dma source(%dma_start3A_71 : memref<100000x128xf32, #tpu.memory_space<hbm>>) target(%dma_start3A_65 : memref<128x128xf32, #tpu.memory_space<vmem>>) offsets(%dma_start3A_68 : memref<128xi32, #tpu.memory_space<vmem>>) semaphore(%arg12 : memref<!tpu.dma_semaphore, #tpu.memory_space<semaphore_mem>>)
    %dma_start3A_72 = arith.constant 2 : i32
    %dma_start3A_73 = arith.constant 2 : i32
    %dma_start3A_74 = arith.constant 0 : i32
    %dma_start3A_75 = arith.constant 0 : i32
    %dma_start3A_76 = tpu.memref_slice %arg8[%dma_start3A_73, %dma_start3A_74, %dma_start3A_75] : memref<3x128x128xf32, #tpu.memory_space<vmem>> -> memref<1x128x128xf32, #tpu.memory_space<vmem>>
    %dma_start3A_77 = tpu.memref_squeeze %dma_start3A_76 : memref<1x128x128xf32, #tpu.memory_space<vmem>> -> memref<128x128xf32, #tpu.memory_space<vmem>>
    %dma_start3A_78 = arith.constant 0 : i32
    %dma_start3A_79 = arith.constant 0 : i32
    %dma_start3A_80 = tpu.memref_slice %arg2[%add3A, %dma_start3A_72, %dma_start3A_78, %dma_start3A_79] : memref<32x4x128x128xf32, #tpu.memory_space<hbm>> -> memref<1x1x128x128xf32, #tpu.memory_space<hbm>>
    %dma_start3A_81 = tpu.memref_squeeze %dma_start3A_80 : memref<1x1x128x128xf32, #tpu.memory_space<hbm>> -> memref<128x128xf32, #tpu.memory_space<hbm>>
    %dma_start3A_82 = arith.constant 0 : i32
    %dma_start3A_83 = arith.constant 0 : i32
    %dma_start3A_84 = tpu.memref_slice %arg8[%dma_start3A_73, %dma_start3A_82, %dma_start3A_83] : memref<3x128x128xf32, #tpu.memory_space<vmem>> -> memref<1x128x128xf32, #tpu.memory_space<vmem>>
    %dma_start3A_85 = tpu.memref_squeeze %dma_start3A_84 : memref<1x128x128xf32, #tpu.memory_space<vmem>> -> memref<128x128xf32, #tpu.memory_space<vmem>>
    %dma_start3A_86 = arith.constant 0 : i32
    %dma_start3A_87 = arith.constant 0 : i32
    %dma_start3A_88 = tpu.memref_slice %arg2[%add3A, %dma_start3A_72, %dma_start3A_86, %dma_start3A_87] : memref<32x4x128x128xf32, #tpu.memory_space<hbm>> -> memref<1x1x128x128xf32, #tpu.memory_space<hbm>>
    %dma_start3A_89 = tpu.memref_squeeze %dma_start3A_88 : memref<1x1x128x128xf32, #tpu.memory_space<hbm>> -> memref<128x128xf32, #tpu.memory_space<hbm>>
    tpu.enqueue_dma source(%dma_start3A_89 : memref<128x128xf32, #tpu.memory_space<hbm>>) target(%dma_start3A_85 : memref<128x128xf32, #tpu.memory_space<vmem>>) target_semaphore(%arg15 : memref<!tpu.dma_semaphore, #tpu.memory_space<semaphore_mem>>)
    %broadcast_in_dim3A = arith.constant 0.000000e+00 : f32
    %broadcast_in_dim3A_90 = vector.broadcast %broadcast_in_dim3A : f32 to vector<16xf32>
    %dma_wait3A = arith.constant 0 : i32
    %dma_wait3A_91 = arith.constant 0 : i32
    %dma_wait3A_92 = arith.constant 0 : i32
    %dma_wait3A_93 = arith.constant 0 : i32
    %dma_wait3A_94 = tpu.memref_slice %arg7[%dma_wait3A_91, %dma_wait3A_92, %dma_wait3A_93] : memref<3x128x128xf32, #tpu.memory_space<vmem>> -> memref<1x128x128xf32, #tpu.memory_space<vmem>>
    %dma_wait3A_95 = tpu.memref_squeeze %dma_wait3A_94 : memref<1x128x128xf32, #tpu.memory_space<vmem>> -> memref<128x128xf32, #tpu.memory_space<vmem>>
    %dma_wait3A_96 = arith.constant 0 : i32
    %dma_wait3A_97 = tpu.memref_slice %arg6[%dma_wait3A, %dma_wait3A_96] : memref<4x128xi32, #tpu.memory_space<vmem>> -> memref<1x128xi32, #tpu.memory_space<vmem>>
    %dma_wait3A_98 = tpu.memref_squeeze %dma_wait3A_97 : memref<1x128xi32, #tpu.memory_space<vmem>> -> memref<128xi32, #tpu.memory_space<vmem>>
    %dma_wait3A_99 = arith.constant 0 : i32
    %dma_wait3A_100 = arith.constant 0 : i32
    %dma_wait3A_101 = tpu.memref_slice %arg4[%dma_wait3A_99, %dma_wait3A_100] : memref<100000x128xf32, #tpu.memory_space<hbm>> -> memref<100000x128xf32, #tpu.memory_space<hbm>>
    tpu.wait_indirect_dma semaphore(%arg10 : memref<!tpu.dma_semaphore, #tpu.memory_space<semaphore_mem>>) src(%dma_wait3A_101 : memref<100000x128xf32, #tpu.memory_space<hbm>>) dst(%dma_wait3A_95 : memref<128x128xf32, #tpu.memory_space<vmem>>)
    %dma_wait3A_102 = arith.constant 0 : i32
    %dma_wait3A_103 = arith.constant 0 : i32
    %dma_wait3A_104 = arith.constant 0 : i32
    %dma_wait3A_105 = arith.constant 0 : i32
    %dma_wait3A_106 = tpu.memref_slice %arg8[%dma_wait3A_103, %dma_wait3A_104, %dma_wait3A_105] : memref<3x128x128xf32, #tpu.memory_space<vmem>> -> memref<1x128x128xf32, #tpu.memory_space<vmem>>
    %dma_wait3A_107 = tpu.memref_squeeze %dma_wait3A_106 : memref<1x128x128xf32, #tpu.memory_space<vmem>> -> memref<128x128xf32, #tpu.memory_space<vmem>>
    %dma_wait3A_108 = arith.constant 0 : i32
    %dma_wait3A_109 = arith.constant 0 : i32
    %dma_wait3A_110 = tpu.memref_slice %arg2[%add3A, %dma_wait3A_102, %dma_wait3A_108, %dma_wait3A_109] : memref<32x4x128x128xf32, #tpu.memory_space<hbm>> -> memref<1x1x128x128xf32, #tpu.memory_space<hbm>>
    %dma_wait3A_111 = tpu.memref_squeeze %dma_wait3A_110 : memref<1x1x128x128xf32, #tpu.memory_space<hbm>> -> memref<128x128xf32, #tpu.memory_space<hbm>>
    %dma_wait3A_112 = arith.constant 0 : i32
    %dma_wait3A_113 = arith.constant 0 : i32
    %dma_wait3A_114 = tpu.memref_slice %arg8[%dma_wait3A_103, %dma_wait3A_112, %dma_wait3A_113] : memref<3x128x128xf32, #tpu.memory_space<vmem>> -> memref<1x128x128xf32, #tpu.memory_space<vmem>>
    %dma_wait3A_115 = tpu.memref_squeeze %dma_wait3A_114 : memref<1x128x128xf32, #tpu.memory_space<vmem>> -> memref<128x128xf32, #tpu.memory_space<vmem>>
    %dma_wait3A_116 = arith.constant 0 : i32
    %dma_wait3A_117 = arith.constant 0 : i32
    %dma_wait3A_118 = tpu.memref_slice %arg2[%add3A, %dma_wait3A_102, %dma_wait3A_116, %dma_wait3A_117] : memref<32x4x128x128xf32, #tpu.memory_space<hbm>> -> memref<1x1x128x128xf32, #tpu.memory_space<hbm>>
    %dma_wait3A_119 = tpu.memref_squeeze %dma_wait3A_118 : memref<1x1x128x128xf32, #tpu.memory_space<hbm>> -> memref<128x128xf32, #tpu.memory_space<hbm>>
    tpu.wait_dma2 semaphore(%arg13 : memref<!tpu.dma_semaphore, #tpu.memory_space<semaphore_mem>>) src(%dma_wait3A_119 : memref<128x128xf32, #tpu.memory_space<hbm>>) dst(%dma_wait3A_115 : memref<128x128xf32, #tpu.memory_space<vmem>>)
    %broadcast_in_dim3A_120 = arith.constant 0.000000e+00 : f32
    %broadcast_in_dim3A_121 = vector.broadcast %broadcast_in_dim3A_120 : f32 to vector<16xf32>
    %parallel_loop3A = arith.constant 0 : i32
    %parallel_loop3A_122 = arith.constant 128 : i32
    %parallel_loop3A_123 = arith.constant 1 : i32
    %parallel_loop3A_124:8 = scf.for %parallel_loop3A_301 = %parallel_loop3A to %parallel_loop3A_122 step %parallel_loop3A_123 iter_args(%parallel_loop3A_302 = %broadcast_in_dim3A_121, %parallel_loop3A_303 = %broadcast_in_dim3A_121, %parallel_loop3A_304 = %broadcast_in_dim3A_121, %parallel_loop3A_305 = %broadcast_in_dim3A_121, %parallel_loop3A_306 = %broadcast_in_dim3A_121, %parallel_loop3A_307 = %broadcast_in_dim3A_121, %parallel_loop3A_308 = %broadcast_in_dim3A_121, %parallel_loop3A_309 = %broadcast_in_dim3A_121) -> (vector<16xf32>, vector<16xf32>, vector<16xf32>, vector<16xf32>, vector<16xf32>, vector<16xf32>, vector<16xf32>, vector<16xf32>)  : i32 {
      %parallel_loop3A_310 = arith.constant 0 : i32
      %parallel_loop3A_311 = arith.index_cast %parallel_loop3A_310 : i32 to index
      %parallel_loop3A_312 = arith.index_cast %parallel_loop3A_301 : i32 to index
      %parallel_loop3A_313 = arith.constant 0 : index
      %parallel_loop3A_314 = tpu.vector_load %arg8[%parallel_loop3A_311, %parallel_loop3A_312, %parallel_loop3A_313] {strides = array<i32>} : memref<3x128x128xf32, #tpu.memory_space<vmem>>, vector<1x1x16xf32>,
      %parallel_loop3A_315 = vector.shape_cast %parallel_loop3A_314 : vector<1x1x16xf32> to vector<16xf32>
      %parallel_loop3A_316 = arith.constant 0 : i32
      %parallel_loop3A_317 = arith.index_cast %parallel_loop3A_316 : i32 to index
      %parallel_loop3A_318 = arith.index_cast %parallel_loop3A_301 : i32 to index
      %parallel_loop3A_319 = arith.constant 0 : index
      %parallel_loop3A_320 = tpu.vector_load %arg7[%parallel_loop3A_317, %parallel_loop3A_318, %parallel_loop3A_319] {strides = array<i32>} : memref<3x128x128xf32, #tpu.memory_space<vmem>>, vector<1x1x16xf32>,
      %parallel_loop3A_321 = vector.shape_cast %parallel_loop3A_320 : vector<1x1x16xf32> to vector<16xf32>
      %parallel_loop3A_322 = arith.subf %parallel_loop3A_315, %parallel_loop3A_321 : vector<16xf32>
      %parallel_loop3A_323 = arith.mulf %parallel_loop3A_322, %parallel_loop3A_322 : vector<16xf32>
      %parallel_loop3A_324 = arith.constant 9.99999996E-13 : f32
      %parallel_loop3A_325 = vector.broadcast %parallel_loop3A_324 : f32 to vector<16xf32>
      %parallel_loop3A_326 = arith.maximumf %parallel_loop3A_323, %parallel_loop3A_325 : vector<16xf32>
      %parallel_loop3A_327 = arith.constant 9.99999995E+11 : f32
      %parallel_loop3A_328 = vector.broadcast %parallel_loop3A_327 : f32 to vector<16xf32>
      %parallel_loop3A_329 = arith.minimumf %parallel_loop3A_326, %parallel_loop3A_328 : vector<16xf32>
      %parallel_loop3A_330 = arith.addf %parallel_loop3A_302, %parallel_loop3A_329 : vector<16xf32>
      %parallel_loop3A_331 = arith.constant 0 : i32
      %parallel_loop3A_332 = arith.index_cast %parallel_loop3A_331 : i32 to index
      %parallel_loop3A_333 = arith.index_cast %parallel_loop3A_301 : i32 to index
      %parallel_loop3A_334 = arith.constant 16 : index
      %parallel_loop3A_335 = tpu.vector_load %arg8[%parallel_loop3A_332, %parallel_loop3A_333, %parallel_loop3A_334] {strides = array<i32>} : memref<3x128x128xf32, #tpu.memory_space<vmem>>, vector<1x1x16xf32>,
      %parallel_loop3A_336 = vector.shape_cast %parallel_loop3A_335 : vector<1x1x16xf32> to vector<16xf32>
      %parallel_loop3A_337 = arith.constant 0 : i32
      %parallel_loop3A_338 = arith.index_cast %parallel_loop3A_337 : i32 to index
      %parallel_loop3A_339 = arith.index_cast %parallel_loop3A_301 : i32 to index
      %parallel_loop3A_340 = arith.constant 16 : index
      %parallel_loop3A_341 = tpu.vector_load %arg7[%parallel_loop3A_338, %parallel_loop3A_339, %parallel_loop3A_340] {strides = array<i32>} : memref<3x128x128xf32, #tpu.memory_space<vmem>>, vector<1x1x16xf32>,
      %parallel_loop3A_342 = vector.shape_cast %parallel_loop3A_341 : vector<1x1x16xf32> to vector<16xf32>
      %parallel_loop3A_343 = arith.subf %parallel_loop3A_336, %parallel_loop3A_342 : vector<16xf32>
      %parallel_loop3A_344 = arith.mulf %parallel_loop3A_343, %parallel_loop3A_343 : vector<16xf32>
      %parallel_loop3A_345 = arith.constant 9.99999996E-13 : f32
      %parallel_loop3A_346 = vector.broadcast %parallel_loop3A_345 : f32 to vector<16xf32>
      %parallel_loop3A_347 = arith.maximumf %parallel_loop3A_344, %parallel_loop3A_346 : vector<16xf32>
      %parallel_loop3A_348 = arith.constant 9.99999995E+11 : f32
      %parallel_loop3A_349 = vector.broadcast %parallel_loop3A_348 : f32 to vector<16xf32>
      %parallel_loop3A_350 = arith.minimumf %parallel_loop3A_347, %parallel_loop3A_349 : vector<16xf32>
      %parallel_loop3A_351 = arith.addf %parallel_loop3A_303, %parallel_loop3A_350 : vector<16xf32>
      %parallel_loop3A_352 = arith.constant 0 : i32
      %parallel_loop3A_353 = arith.index_cast %parallel_loop3A_352 : i32 to index
      %parallel_loop3A_354 = arith.index_cast %parallel_loop3A_301 : i32 to index
      %parallel_loop3A_355 = arith.constant 32 : index
      %parallel_loop3A_356 = tpu.vector_load %arg8[%parallel_loop3A_353, %parallel_loop3A_354, %parallel_loop3A_355] {strides = array<i32>} : memref<3x128x128xf32, #tpu.memory_space<vmem>>, vector<1x1x16xf32>,
      %parallel_loop3A_357 = vector.shape_cast %parallel_loop3A_356 : vector<1x1x16xf32> to vector<16xf32>
      %parallel_loop3A_358 = arith.constant 0 : i32
      %parallel_loop3A_359 = arith.index_cast %parallel_loop3A_358 : i32 to index
      %parallel_loop3A_360 = arith.index_cast %parallel_loop3A_301 : i32 to index
      %parallel_loop3A_361 = arith.constant 32 : index
      %parallel_loop3A_362 = tpu.vector_load %arg7[%parallel_loop3A_359, %parallel_loop3A_360, %parallel_loop3A_361] {strides = array<i32>} : memref<3x128x128xf32, #tpu.memory_space<vmem>>, vector<1x1x16xf32>,
      %parallel_loop3A_363 = vector.shape_cast %parallel_loop3A_362 : vector<1x1x16xf32> to vector<16xf32>
      %parallel_loop3A_364 = arith.subf %parallel_loop3A_357, %parallel_loop3A_363 : vector<16xf32>
      %parallel_loop3A_365 = arith.mulf %parallel_loop3A_364, %parallel_loop3A_364 : vector<16xf32>
      %parallel_loop3A_366 = arith.constant 9.99999996E-13 : f32
      %parallel_loop3A_367 = vector.broadcast %parallel_loop3A_366 : f32 to vector<16xf32>
      %parallel_loop3A_368 = arith.maximumf %parallel_loop3A_365, %parallel_loop3A_367 : vector<16xf32>
      %parallel_loop3A_369 = arith.constant 9.99999995E+11 : f32
      %parallel_loop3A_370 = vector.broadcast %parallel_loop3A_369 : f32 to vector<16xf32>
      %parallel_loop3A_371 = arith.minimumf %parallel_loop3A_368, %parallel_loop3A_370 : vector<16xf32>
      %parallel_loop3A_372 = arith.addf %parallel_loop3A_304, %parallel_loop3A_371 : vector<16xf32>
      %parallel_loop3A_373 = arith.constant 0 : i32
      %parallel_loop3A_374 = arith.index_cast %parallel_loop3A_373 : i32 to index
      %parallel_loop3A_375 = arith.index_cast %parallel_loop3A_301 : i32 to index
      %parallel_loop3A_376 = arith.constant 48 : index
      %parallel_loop3A_377 = tpu.vector_load %arg8[%parallel_loop3A_374, %parallel_loop3A_375, %parallel_loop3A_376] {strides = array<i32>} : memref<3x128x128xf32, #tpu.memory_space<vmem>>, vector<1x1x16xf32>,
      %parallel_loop3A_378 = vector.shape_cast %parallel_loop3A_377 : vector<1x1x16xf32> to vector<16xf32>
      %parallel_loop3A_379 = arith.constant 0 : i32
      %parallel_loop3A_380 = arith.index_cast %parallel_loop3A_379 : i32 to index
      %parallel_loop3A_381 = arith.index_cast %parallel_loop3A_301 : i32 to index
      %parallel_loop3A_382 = arith.constant 48 : index
      %parallel_loop3A_383 = tpu.vector_load %arg7[%parallel_loop3A_380, %parallel_loop3A_381, %parallel_loop3A_382] {strides = array<i32>} : memref<3x128x128xf32, #tpu.memory_space<vmem>>, vector<1x1x16xf32>,
      %parallel_loop3A_384 = vector.shape_cast %parallel_loop3A_383 : vector<1x1x16xf32> to vector<16xf32>
      %parallel_loop3A_385 = arith.subf %parallel_loop3A_378, %parallel_loop3A_384 : vector<16xf32>
      %parallel_loop3A_386 = arith.mulf %parallel_loop3A_385, %parallel_loop3A_385 : vector<16xf32>
      %parallel_loop3A_387 = arith.constant 9.99999996E-13 : f32
      %parallel_loop3A_388 = vector.broadcast %parallel_loop3A_387 : f32 to vector<16xf32>
      %parallel_loop3A_389 = arith.maximumf %parallel_loop3A_386, %parallel_loop3A_388 : vector<16xf32>
      %parallel_loop3A_390 = arith.constant 9.99999995E+11 : f32
      %parallel_loop3A_391 = vector.broadcast %parallel_loop3A_390 : f32 to vector<16xf32>
      %parallel_loop3A_392 = arith.minimumf %parallel_loop3A_389, %parallel_loop3A_391 : vector<16xf32>
      %parallel_loop3A_393 = arith.addf %parallel_loop3A_305, %parallel_loop3A_392 : vector<16xf32>
      %parallel_loop3A_394 = arith.constant 0 : i32
      %parallel_loop3A_395 = arith.index_cast %parallel_loop3A_394 : i32 to index
      %parallel_loop3A_396 = arith.index_cast %parallel_loop3A_301 : i32 to index
      %parallel_loop3A_397 = arith.constant 64 : index
      %parallel_loop3A_398 = tpu.vector_load %arg8[%parallel_loop3A_395, %parallel_loop3A_396, %parallel_loop3A_397] {strides = array<i32>} : memref<3x128x128xf32, #tpu.memory_space<vmem>>, vector<1x1x16xf32>,
      %parallel_loop3A_399 = vector.shape_cast %parallel_loop3A_398 : vector<1x1x16xf32> to vector<16xf32>
      %parallel_loop3A_400 = arith.constant 0 : i32
      %parallel_loop3A_401 = arith.index_cast %parallel_loop3A_400 : i32 to index
      %parallel_loop3A_402 = arith.index_cast %parallel_loop3A_301 : i32 to index
      %parallel_loop3A_403 = arith.constant 64 : index
      %parallel_loop3A_404 = tpu.vector_load %arg7[%parallel_loop3A_401, %parallel_loop3A_402, %parallel_loop3A_403] {strides = array<i32>} : memref<3x128x128xf32, #tpu.memory_space<vmem>>, vector<1x1x16xf32>,
      %parallel_loop3A_405 = vector.shape_cast %parallel_loop3A_404 : vector<1x1x16xf32> to vector<16xf32>
      %parallel_loop3A_406 = arith.subf %parallel_loop3A_399, %parallel_loop3A_405 : vector<16xf32>
      %parallel_loop3A_407 = arith.mulf %parallel_loop3A_406, %parallel_loop3A_406 : vector<16xf32>
      %parallel_loop3A_408 = arith.constant 9.99999996E-13 : f32
      %parallel_loop3A_409 = vector.broadcast %parallel_loop3A_408 : f32 to vector<16xf32>
      %parallel_loop3A_410 = arith.maximumf %parallel_loop3A_407, %parallel_loop3A_409 : vector<16xf32>
      %parallel_loop3A_411 = arith.constant 9.99999995E+11 : f32
      %parallel_loop3A_412 = vector.broadcast %parallel_loop3A_411 : f32 to vector<16xf32>
      %parallel_loop3A_413 = arith.minimumf %parallel_loop3A_410, %parallel_loop3A_412 : vector<16xf32>
      %parallel_loop3A_414 = arith.addf %parallel_loop3A_306, %parallel_loop3A_413 : vector<16xf32>
      %parallel_loop3A_415 = arith.constant 0 : i32
      %parallel_loop3A_416 = arith.index_cast %parallel_loop3A_415 : i32 to index
      %parallel_loop3A_417 = arith.index_cast %parallel_loop3A_301 : i32 to index
      %parallel_loop3A_418 = arith.constant 80 : index
      %parallel_loop3A_419 = tpu.vector_load %arg8[%parallel_loop3A_416, %parallel_loop3A_417, %parallel_loop3A_418] {strides = array<i32>} : memref<3x128x128xf32, #tpu.memory_space<vmem>>, vector<1x1x16xf32>,
      %parallel_loop3A_420 = vector.shape_cast %parallel_loop3A_419 : vector<1x1x16xf32> to vector<16xf32>
      %parallel_loop3A_421 = arith.constant 0 : i32
      %parallel_loop3A_422 = arith.index_cast %parallel_loop3A_421 : i32 to index
      %parallel_loop3A_423 = arith.index_cast %parallel_loop3A_301 : i32 to index
      %parallel_loop3A_424 = arith.constant 80 : index
      %parallel_loop3A_425 = tpu.vector_load %arg7[%parallel_loop3A_422, %parallel_loop3A_423, %parallel_loop3A_424] {strides = array<i32>} : memref<3x128x128xf32, #tpu.memory_space<vmem>>, vector<1x1x16xf32>,
      %parallel_loop3A_426 = vector.shape_cast %parallel_loop3A_425 : vector<1x1x16xf32> to vector<16xf32>
      %parallel_loop3A_427 = arith.subf %parallel_loop3A_420, %parallel_loop3A_426 : vector<16xf32>
      %parallel_loop3A_428 = arith.mulf %parallel_loop3A_427, %parallel_loop3A_427 : vector<16xf32>
      %parallel_loop3A_429 = arith.constant 9.99999996E-13 : f32
      %parallel_loop3A_430 = vector.broadcast %parallel_loop3A_429 : f32 to vector<16xf32>
      %parallel_loop3A_431 = arith.maximumf %parallel_loop3A_428, %parallel_loop3A_430 : vector<16xf32>
      %parallel_loop3A_432 = arith.constant 9.99999995E+11 : f32
      %parallel_loop3A_433 = vector.broadcast %parallel_loop3A_432 : f32 to vector<16xf32>
      %parallel_loop3A_434 = arith.minimumf %parallel_loop3A_431, %parallel_loop3A_433 : vector<16xf32>
      %parallel_loop3A_435 = arith.addf %parallel_loop3A_307, %parallel_loop3A_434 : vector<16xf32>
      %parallel_loop3A_436 = arith.constant 0 : i32
      %parallel_loop3A_437 = arith.index_cast %parallel_loop3A_436 : i32 to index
      %parallel_loop3A_438 = arith.index_cast %parallel_loop3A_301 : i32 to index
      %parallel_loop3A_439 = arith.constant 96 : index
      %parallel_loop3A_440 = tpu.vector_load %arg8[%parallel_loop3A_437, %parallel_loop3A_438, %parallel_loop3A_439] {strides = array<i32>} : memref<3x128x128xf32, #tpu.memory_space<vmem>>, vector<1x1x16xf32>,
      %parallel_loop3A_441 = vector.shape_cast %parallel_loop3A_440 : vector<1x1x16xf32> to vector<16xf32>
      %parallel_loop3A_442 = arith.constant 0 : i32
      %parallel_loop3A_443 = arith.index_cast %parallel_loop3A_442 : i32 to index
      %parallel_loop3A_444 = arith.index_cast %parallel_loop3A_301 : i32 to index
      %parallel_loop3A_445 = arith.constant 96 : index
      %parallel_loop3A_446 = tpu.vector_load %arg7[%parallel_loop3A_443, %parallel_loop3A_444, %parallel_loop3A_445] {strides = array<i32>} : memref<3x128x128xf32, #tpu.memory_space<vmem>>, vector<1x1x16xf32>,
      %parallel_loop3A_447 = vector.shape_cast %parallel_loop3A_446 : vector<1x1x16xf32> to vector<16xf32>
      %parallel_loop3A_448 = arith.subf %parallel_loop3A_441, %parallel_loop3A_447 : vector<16xf32>
      %parallel_loop3A_449 = arith.mulf %parallel_loop3A_448, %parallel_loop3A_448 : vector<16xf32>
      %parallel_loop3A_450 = arith.constant 9.99999996E-13 : f32
      %parallel_loop3A_451 = vector.broadcast %parallel_loop3A_450 : f32 to vector<16xf32>
      %parallel_loop3A_452 = arith.maximumf %parallel_loop3A_449, %parallel_loop3A_451 : vector<16xf32>
      %parallel_loop3A_453 = arith.constant 9.99999995E+11 : f32
      %parallel_loop3A_454 = vector.broadcast %parallel_loop3A_453 : f32 to vector<16xf32>
      %parallel_loop3A_455 = arith.minimumf %parallel_loop3A_452, %parallel_loop3A_454 : vector<16xf32>
      %parallel_loop3A_456 = arith.addf %parallel_loop3A_308, %parallel_loop3A_455 : vector<16xf32>
      %parallel_loop3A_457 = arith.constant 0 : i32
      %parallel_loop3A_458 = arith.index_cast %parallel_loop3A_457 : i32 to index
      %parallel_loop3A_459 = arith.index_cast %parallel_loop3A_301 : i32 to index
      %parallel_loop3A_460 = arith.constant 112 : index
      %parallel_loop3A_461 = tpu.vector_load %arg8[%parallel_loop3A_458, %parallel_loop3A_459, %parallel_loop3A_460] {strides = array<i32>} : memref<3x128x128xf32, #tpu.memory_space<vmem>>, vector<1x1x16xf32>,
      %parallel_loop3A_462 = vector.shape_cast %parallel_loop3A_461 : vector<1x1x16xf32> to vector<16xf32>
      %parallel_loop3A_463 = arith.constant 0 : i32
      %parallel_loop3A_464 = arith.index_cast %parallel_loop3A_463 : i32 to index
      %parallel_loop3A_465 = arith.index_cast %parallel_loop3A_301 : i32 to index
      %parallel_loop3A_466 = arith.constant 112 : index
      %parallel_loop3A_467 = tpu.vector_load %arg7[%parallel_loop3A_464, %parallel_loop3A_465, %parallel_loop3A_466] {strides = array<i32>} : memref<3x128x128xf32, #tpu.memory_space<vmem>>, vector<1x1x16xf32>,
      %parallel_loop3A_468 = vector.shape_cast %parallel_loop3A_467 : vector<1x1x16xf32> to vector<16xf32>
      %parallel_loop3A_469 = arith.subf %parallel_loop3A_462, %parallel_loop3A_468 : vector<16xf32>
      %parallel_loop3A_470 = arith.mulf %parallel_loop3A_469, %parallel_loop3A_469 : vector<16xf32>
      %parallel_loop3A_471 = arith.constant 9.99999996E-13 : f32
      %parallel_loop3A_472 = vector.broadcast %parallel_loop3A_471 : f32 to vector<16xf32>
      %parallel_loop3A_473 = arith.maximumf %parallel_loop3A_470, %parallel_loop3A_472 : vector<16xf32>
      %parallel_loop3A_474 = arith.constant 9.99999995E+11 : f32
      %parallel_loop3A_475 = vector.broadcast %parallel_loop3A_474 : f32 to vector<16xf32>
      %parallel_loop3A_476 = arith.minimumf %parallel_loop3A_473, %parallel_loop3A_475 : vector<16xf32>
      %parallel_loop3A_477 = arith.addf %parallel_loop3A_309, %parallel_loop3A_476 : vector<16xf32>
      scf.yield %parallel_loop3A_330, %parallel_loop3A_351, %parallel_loop3A_372, %parallel_loop3A_393, %parallel_loop3A_414, %parallel_loop3A_435, %parallel_loop3A_456, %parallel_loop3A_477 : vector<16xf32>, vector<16xf32>, vector<16xf32>, vector<16xf32>, vector<16xf32>, vector<16xf32>, vector<16xf32>, vector<16xf32>
    } {sc.loop_unroll_factor = 4 : i64, sc.parallel_access}
    %add3A_125 = arith.addf %parallel_loop3A_124#0, %parallel_loop3A_124#1 : vector<16xf32>
    %add3A_126 = arith.addf %add3A_125, %parallel_loop3A_124#2 : vector<16xf32>
    %add3A_127 = arith.addf %add3A_126, %parallel_loop3A_124#3 : vector<16xf32>
    %add3A_128 = arith.addf %add3A_127, %parallel_loop3A_124#4 : vector<16xf32>
    %add3A_129 = arith.addf %add3A_128, %parallel_loop3A_124#5 : vector<16xf32>
    %add3A_130 = arith.addf %add3A_129, %parallel_loop3A_124#6 : vector<16xf32>
    %add3A_131 = arith.addf %add3A_130, %parallel_loop3A_124#7 : vector<16xf32>
    %add3A_132 = arith.addf %broadcast_in_dim3A_90, %add3A_131 : vector<16xf32>
    %dma_start3A_133 = arith.constant 3 : i32
    %dma_start3A_134 = arith.constant 0 : i32
    %dma_start3A_135 = arith.constant 0 : i32
    %dma_start3A_136 = arith.constant 0 : i32
    %dma_start3A_137 = tpu.memref_slice %arg7[%dma_start3A_134, %dma_start3A_135, %dma_start3A_136] : memref<3x128x128xf32, #tpu.memory_space<vmem>> -> memref<1x128x128xf32, #tpu.memory_space<vmem>>
    %dma_start3A_138 = tpu.memref_squeeze %dma_start3A_137 : memref<1x128x128xf32, #tpu.memory_space<vmem>> -> memref<128x128xf32, #tpu.memory_space<vmem>>
    %dma_start3A_139 = arith.constant 0 : i32
    %dma_start3A_140 = tpu.memref_slice %arg6[%dma_start3A_133, %dma_start3A_139] : memref<4x128xi32, #tpu.memory_space<vmem>> -> memref<1x128xi32, #tpu.memory_space<vmem>>
    %dma_start3A_141 = tpu.memref_squeeze %dma_start3A_140 : memref<1x128xi32, #tpu.memory_space<vmem>> -> memref<128xi32, #tpu.memory_space<vmem>>
    %dma_start3A_142 = arith.constant 0 : i32
    %dma_start3A_143 = arith.constant 0 : i32
    %dma_start3A_144 = tpu.memref_slice %arg4[%dma_start3A_142, %dma_start3A_143] : memref<100000x128xf32, #tpu.memory_space<hbm>> -> memref<100000x128xf32, #tpu.memory_space<hbm>>
    tpu.enqueue_indirect_dma source(%dma_start3A_144 : memref<100000x128xf32, #tpu.memory_space<hbm>>) target(%dma_start3A_138 : memref<128x128xf32, #tpu.memory_space<vmem>>) offsets(%dma_start3A_141 : memref<128xi32, #tpu.memory_space<vmem>>) semaphore(%arg10 : memref<!tpu.dma_semaphore, #tpu.memory_space<semaphore_mem>>)
    %dma_start3A_145 = arith.constant 3 : i32
    %dma_start3A_146 = arith.constant 0 : i32
    %dma_start3A_147 = arith.constant 0 : i32
    %dma_start3A_148 = arith.constant 0 : i32
    %dma_start3A_149 = tpu.memref_slice %arg8[%dma_start3A_146, %dma_start3A_147, %dma_start3A_148] : memref<3x128x128xf32, #tpu.memory_space<vmem>> -> memref<1x128x128xf32, #tpu.memory_space<vmem>>
    %dma_start3A_150 = tpu.memref_squeeze %dma_start3A_149 : memref<1x128x128xf32, #tpu.memory_space<vmem>> -> memref<128x128xf32, #tpu.memory_space<vmem>>
    %dma_start3A_151 = arith.constant 0 : i32
    %dma_start3A_152 = arith.constant 0 : i32
    %dma_start3A_153 = tpu.memref_slice %arg2[%add3A, %dma_start3A_145, %dma_start3A_151, %dma_start3A_152] : memref<32x4x128x128xf32, #tpu.memory_space<hbm>> -> memref<1x1x128x128xf32, #tpu.memory_space<hbm>>
    %dma_start3A_154 = tpu.memref_squeeze %dma_start3A_153 : memref<1x1x128x128xf32, #tpu.memory_space<hbm>> -> memref<128x128xf32, #tpu.memory_space<hbm>>
    %dma_start3A_155 = arith.constant 0 : i32
    %dma_start3A_156 = arith.constant 0 : i32
    %dma_start3A_157 = tpu.memref_slice %arg8[%dma_start3A_146, %dma_start3A_155, %dma_start3A_156] : memref<3x128x128xf32, #tpu.memory_space<vmem>> -> memref<1x128x128xf32, #tpu.memory_space<vmem>>
    %dma_start3A_158 = tpu.memref_squeeze %dma_start3A_157 : memref<1x128x128xf32, #tpu.memory_space<vmem>> -> memref<128x128xf32, #tpu.memory_space<vmem>>
    %dma_start3A_159 = arith.constant 0 : i32
    %dma_start3A_160 = arith.constant 0 : i32
    %dma_start3A_161 = tpu.memref_slice %arg2[%add3A, %dma_start3A_145, %dma_start3A_159, %dma_start3A_160] : memref<32x4x128x128xf32, #tpu.memory_space<hbm>> -> memref<1x1x128x128xf32, #tpu.memory_space<hbm>>
    %dma_start3A_162 = tpu.memref_squeeze %dma_start3A_161 : memref<1x1x128x128xf32, #tpu.memory_space<hbm>> -> memref<128x128xf32, #tpu.memory_space<hbm>>
    tpu.enqueue_dma source(%dma_start3A_162 : memref<128x128xf32, #tpu.memory_space<hbm>>) target(%dma_start3A_158 : memref<128x128xf32, #tpu.memory_space<vmem>>) target_semaphore(%arg13 : memref<!tpu.dma_semaphore, #tpu.memory_space<semaphore_mem>>)
    %dma_wait3A_163 = arith.constant 1 : i32
    %dma_wait3A_164 = arith.constant 1 : i32
    %dma_wait3A_165 = arith.constant 0 : i32
    %dma_wait3A_166 = arith.constant 0 : i32
    %dma_wait3A_167 = tpu.memref_slice %arg7[%dma_wait3A_164, %dma_wait3A_165, %dma_wait3A_166] : memref<3x128x128xf32, #tpu.memory_space<vmem>> -> memref<1x128x128xf32, #tpu.memory_space<vmem>>
    %dma_wait3A_168 = tpu.memref_squeeze %dma_wait3A_167 : memref<1x128x128xf32, #tpu.memory_space<vmem>> -> memref<128x128xf32, #tpu.memory_space<vmem>>
    %dma_wait3A_169 = arith.constant 0 : i32
    %dma_wait3A_170 = tpu.memref_slice %arg6[%dma_wait3A_163, %dma_wait3A_169] : memref<4x128xi32, #tpu.memory_space<vmem>> -> memref<1x128xi32, #tpu.memory_space<vmem>>
    %dma_wait3A_171 = tpu.memref_squeeze %dma_wait3A_170 : memref<1x128xi32, #tpu.memory_space<vmem>> -> memref<128xi32, #tpu.memory_space<vmem>>
    %dma_wait3A_172 = arith.constant 0 : i32
    %dma_wait3A_173 = arith.constant 0 : i32
    %dma_wait3A_174 = tpu.memref_slice %arg4[%dma_wait3A_172, %dma_wait3A_173] : memref<100000x128xf32, #tpu.memory_space<hbm>> -> memref<100000x128xf32, #tpu.memory_space<hbm>>
    tpu.wait_indirect_dma semaphore(%arg11 : memref<!tpu.dma_semaphore, #tpu.memory_space<semaphore_mem>>) src(%dma_wait3A_174 : memref<100000x128xf32, #tpu.memory_space<hbm>>) dst(%dma_wait3A_168 : memref<128x128xf32, #tpu.memory_space<vmem>>)
    %dma_wait3A_175 = arith.constant 1 : i32
    %dma_wait3A_176 = arith.constant 1 : i32
    %dma_wait3A_177 = arith.constant 0 : i32
    %dma_wait3A_178 = arith.constant 0 : i32
    %dma_wait3A_179 = tpu.memref_slice %arg8[%dma_wait3A_176, %dma_wait3A_177, %dma_wait3A_178] : memref<3x128x128xf32, #tpu.memory_space<vmem>> -> memref<1x128x128xf32, #tpu.memory_space<vmem>>
    %dma_wait3A_180 = tpu.memref_squeeze %dma_wait3A_179 : memref<1x128x128xf32, #tpu.memory_space<vmem>> -> memref<128x128xf32, #tpu.memory_space<vmem>>
    %dma_wait3A_181 = arith.constant 0 : i32
    %dma_wait3A_182 = arith.constant 0 : i32
    %dma_wait3A_183 = tpu.memref_slice %arg2[%add3A, %dma_wait3A_175, %dma_wait3A_181, %dma_wait3A_182] : memref<32x4x128x128xf32, #tpu.memory_space<hbm>> -> memref<1x1x128x128xf32, #tpu.memory_space<hbm>>
    %dma_wait3A_184 = tpu.memref_squeeze %dma_wait3A_183 : memref<1x1x128x128xf32, #tpu.memory_space<hbm>> -> memref<128x128xf32, #tpu.memory_space<hbm>>
    %dma_wait3A_185 = arith.constant 0 : i32
    %dma_wait3A_186 = arith.constant 0 : i32
    %dma_wait3A_187 = tpu.memref_slice %arg8[%dma_wait3A_176, %dma_wait3A_185, %dma_wait3A_186] : memref<3x128x128xf32, #tpu.memory_space<vmem>> -> memref<1x128x128xf32, #tpu.memory_space<vmem>>
    %dma_wait3A_188 = tpu.memref_squeeze %dma_wait3A_187 : memref<1x128x128xf32, #tpu.memory_space<vmem>> -> memref<128x128xf32, #tpu.memory_space<vmem>>
    %dma_wait3A_189 = arith.constant 0 : i32
    %dma_wait3A_190 = arith.constant 0 : i32
    %dma_wait3A_191 = tpu.memref_slice %arg2[%add3A, %dma_wait3A_175, %dma_wait3A_189, %dma_wait3A_190] : memref<32x4x128x128xf32, #tpu.memory_space<hbm>> -> memref<1x1x128x128xf32, #tpu.memory_space<hbm>>
    %dma_wait3A_192 = tpu.memref_squeeze %dma_wait3A_191 : memref<1x1x128x128xf32, #tpu.memory_space<hbm>> -> memref<128x128xf32, #tpu.memory_space<hbm>>
    tpu.wait_dma2 semaphore(%arg14 : memref<!tpu.dma_semaphore, #tpu.memory_space<semaphore_mem>>) src(%dma_wait3A_192 : memref<128x128xf32, #tpu.memory_space<hbm>>) dst(%dma_wait3A_188 : memref<128x128xf32, #tpu.memory_space<vmem>>)
    %broadcast_in_dim3A_193 = arith.constant 0.000000e+00 : f32
    %broadcast_in_dim3A_194 = vector.broadcast %broadcast_in_dim3A_193 : f32 to vector<16xf32>
    %parallel_loop3A_195 = arith.constant 0 : i32
    %parallel_loop3A_196 = arith.constant 128 : i32
    %parallel_loop3A_197 = arith.constant 1 : i32
    %parallel_loop3A_198:8 = scf.for %parallel_loop3A_301 = %parallel_loop3A_195 to %parallel_loop3A_196 step %parallel_loop3A_197 iter_args(%parallel_loop3A_302 = %broadcast_in_dim3A_194, %parallel_loop3A_303 = %broadcast_in_dim3A_194, %parallel_loop3A_304 = %broadcast_in_dim3A_194, %parallel_loop3A_305 = %broadcast_in_dim3A_194, %parallel_loop3A_306 = %broadcast_in_dim3A_194, %parallel_loop3A_307 = %broadcast_in_dim3A_194, %parallel_loop3A_308 = %broadcast_in_dim3A_194, %parallel_loop3A_309 = %broadcast_in_dim3A_194) -> (vector<16xf32>, vector<16xf32>, vector<16xf32>, vector<16xf32>, vector<16xf32>, vector<16xf32>, vector<16xf32>, vector<16xf32>)  : i32 {
      %parallel_loop3A_310 = arith.constant 1 : i32
      %parallel_loop3A_311 = arith.index_cast %parallel_loop3A_310 : i32 to index
      %parallel_loop3A_312 = arith.index_cast %parallel_loop3A_301 : i32 to index
      %parallel_loop3A_313 = arith.constant 0 : index
      %parallel_loop3A_314 = tpu.vector_load %arg8[%parallel_loop3A_311, %parallel_loop3A_312, %parallel_loop3A_313] {strides = array<i32>} : memref<3x128x128xf32, #tpu.memory_space<vmem>>, vector<1x1x16xf32>,
      %parallel_loop3A_315 = vector.shape_cast %parallel_loop3A_314 : vector<1x1x16xf32> to vector<16xf32>
      %parallel_loop3A_316 = arith.constant 1 : i32
      %parallel_loop3A_317 = arith.index_cast %parallel_loop3A_316 : i32 to index
      %parallel_loop3A_318 = arith.index_cast %parallel_loop3A_301 : i32 to index
      %parallel_loop3A_319 = arith.constant 0 : index
      %parallel_loop3A_320 = tpu.vector_load %arg7[%parallel_loop3A_317, %parallel_loop3A_318, %parallel_loop3A_319] {strides = array<i32>} : memref<3x128x128xf32, #tpu.memory_space<vmem>>, vector<1x1x16xf32>,
      %parallel_loop3A_321 = vector.shape_cast %parallel_loop3A_320 : vector<1x1x16xf32> to vector<16xf32>
      %parallel_loop3A_322 = arith.subf %parallel_loop3A_315, %parallel_loop3A_321 : vector<16xf32>
      %parallel_loop3A_323 = arith.mulf %parallel_loop3A_322, %parallel_loop3A_322 : vector<16xf32>
      %parallel_loop3A_324 = arith.constant 9.99999996E-13 : f32
      %parallel_loop3A_325 = vector.broadcast %parallel_loop3A_324 : f32 to vector<16xf32>
      %parallel_loop3A_326 = arith.maximumf %parallel_loop3A_323, %parallel_loop3A_325 : vector<16xf32>
      %parallel_loop3A_327 = arith.constant 9.99999995E+11 : f32
      %parallel_loop3A_328 = vector.broadcast %parallel_loop3A_327 : f32 to vector<16xf32>
      %parallel_loop3A_329 = arith.minimumf %parallel_loop3A_326, %parallel_loop3A_328 : vector<16xf32>
      %parallel_loop3A_330 = arith.addf %parallel_loop3A_302, %parallel_loop3A_329 : vector<16xf32>
      %parallel_loop3A_331 = arith.constant 1 : i32
      %parallel_loop3A_332 = arith.index_cast %parallel_loop3A_331 : i32 to index
      %parallel_loop3A_333 = arith.index_cast %parallel_loop3A_301 : i32 to index
      %parallel_loop3A_334 = arith.constant 16 : index
      %parallel_loop3A_335 = tpu.vector_load %arg8[%parallel_loop3A_332, %parallel_loop3A_333, %parallel_loop3A_334] {strides = array<i32>} : memref<3x128x128xf32, #tpu.memory_space<vmem>>, vector<1x1x16xf32>,
      %parallel_loop3A_336 = vector.shape_cast %parallel_loop3A_335 : vector<1x1x16xf32> to vector<16xf32>
      %parallel_loop3A_337 = arith.constant 1 : i32
      %parallel_loop3A_338 = arith.index_cast %parallel_loop3A_337 : i32 to index
      %parallel_loop3A_339 = arith.index_cast %parallel_loop3A_301 : i32 to index
      %parallel_loop3A_340 = arith.constant 16 : index
      %parallel_loop3A_341 = tpu.vector_load %arg7[%parallel_loop3A_338, %parallel_loop3A_339, %parallel_loop3A_340] {strides = array<i32>} : memref<3x128x128xf32, #tpu.memory_space<vmem>>, vector<1x1x16xf32>,
      %parallel_loop3A_342 = vector.shape_cast %parallel_loop3A_341 : vector<1x1x16xf32> to vector<16xf32>
      %parallel_loop3A_343 = arith.subf %parallel_loop3A_336, %parallel_loop3A_342 : vector<16xf32>
      %parallel_loop3A_344 = arith.mulf %parallel_loop3A_343, %parallel_loop3A_343 : vector<16xf32>
      %parallel_loop3A_345 = arith.constant 9.99999996E-13 : f32
      %parallel_loop3A_346 = vector.broadcast %parallel_loop3A_345 : f32 to vector<16xf32>
      %parallel_loop3A_347 = arith.maximumf %parallel_loop3A_344, %parallel_loop3A_346 : vector<16xf32>
      %parallel_loop3A_348 = arith.constant 9.99999995E+11 : f32
      %parallel_loop3A_349 = vector.broadcast %parallel_loop3A_348 : f32 to vector<16xf32>
      %parallel_loop3A_350 = arith.minimumf %parallel_loop3A_347, %parallel_loop3A_349 : vector<16xf32>
      %parallel_loop3A_351 = arith.addf %parallel_loop3A_303, %parallel_loop3A_350 : vector<16xf32>
      %parallel_loop3A_352 = arith.constant 1 : i32
      %parallel_loop3A_353 = arith.index_cast %parallel_loop3A_352 : i32 to index
      %parallel_loop3A_354 = arith.index_cast %parallel_loop3A_301 : i32 to index
      %parallel_loop3A_355 = arith.constant 32 : index
      %parallel_loop3A_356 = tpu.vector_load %arg8[%parallel_loop3A_353, %parallel_loop3A_354, %parallel_loop3A_355] {strides = array<i32>} : memref<3x128x128xf32, #tpu.memory_space<vmem>>, vector<1x1x16xf32>,
      %parallel_loop3A_357 = vector.shape_cast %parallel_loop3A_356 : vector<1x1x16xf32> to vector<16xf32>
      %parallel_loop3A_358 = arith.constant 1 : i32
      %parallel_loop3A_359 = arith.index_cast %parallel_loop3A_358 : i32 to index
      %parallel_loop3A_360 = arith.index_cast %parallel_loop3A_301 : i32 to index
      %parallel_loop3A_361 = arith.constant 32 : index
      %parallel_loop3A_362 = tpu.vector_load %arg7[%parallel_loop3A_359, %parallel_loop3A_360, %parallel_loop3A_361] {strides = array<i32>} : memref<3x128x128xf32, #tpu.memory_space<vmem>>, vector<1x1x16xf32>,
      %parallel_loop3A_363 = vector.shape_cast %parallel_loop3A_362 : vector<1x1x16xf32> to vector<16xf32>
      %parallel_loop3A_364 = arith.subf %parallel_loop3A_357, %parallel_loop3A_363 : vector<16xf32>
      %parallel_loop3A_365 = arith.mulf %parallel_loop3A_364, %parallel_loop3A_364 : vector<16xf32>
      %parallel_loop3A_366 = arith.constant 9.99999996E-13 : f32
      %parallel_loop3A_367 = vector.broadcast %parallel_loop3A_366 : f32 to vector<16xf32>
      %parallel_loop3A_368 = arith.maximumf %parallel_loop3A_365, %parallel_loop3A_367 : vector<16xf32>
      %parallel_loop3A_369 = arith.constant 9.99999995E+11 : f32
      %parallel_loop3A_370 = vector.broadcast %parallel_loop3A_369 : f32 to vector<16xf32>
      %parallel_loop3A_371 = arith.minimumf %parallel_loop3A_368, %parallel_loop3A_370 : vector<16xf32>
      %parallel_loop3A_372 = arith.addf %parallel_loop3A_304, %parallel_loop3A_371 : vector<16xf32>
      %parallel_loop3A_373 = arith.constant 1 : i32
      %parallel_loop3A_374 = arith.index_cast %parallel_loop3A_373 : i32 to index
      %parallel_loop3A_375 = arith.index_cast %parallel_loop3A_301 : i32 to index
      %parallel_loop3A_376 = arith.constant 48 : index
      %parallel_loop3A_377 = tpu.vector_load %arg8[%parallel_loop3A_374, %parallel_loop3A_375, %parallel_loop3A_376] {strides = array<i32>} : memref<3x128x128xf32, #tpu.memory_space<vmem>>, vector<1x1x16xf32>,
      %parallel_loop3A_378 = vector.shape_cast %parallel_loop3A_377 : vector<1x1x16xf32> to vector<16xf32>
      %parallel_loop3A_379 = arith.constant 1 : i32
      %parallel_loop3A_380 = arith.index_cast %parallel_loop3A_379 : i32 to index
      %parallel_loop3A_381 = arith.index_cast %parallel_loop3A_301 : i32 to index
      %parallel_loop3A_382 = arith.constant 48 : index
      %parallel_loop3A_383 = tpu.vector_load %arg7[%parallel_loop3A_380, %parallel_loop3A_381, %parallel_loop3A_382] {strides = array<i32>} : memref<3x128x128xf32, #tpu.memory_space<vmem>>, vector<1x1x16xf32>,
      %parallel_loop3A_384 = vector.shape_cast %parallel_loop3A_383 : vector<1x1x16xf32> to vector<16xf32>
      %parallel_loop3A_385 = arith.subf %parallel_loop3A_378, %parallel_loop3A_384 : vector<16xf32>
      %parallel_loop3A_386 = arith.mulf %parallel_loop3A_385, %parallel_loop3A_385 : vector<16xf32>
      %parallel_loop3A_387 = arith.constant 9.99999996E-13 : f32
      %parallel_loop3A_388 = vector.broadcast %parallel_loop3A_387 : f32 to vector<16xf32>
      %parallel_loop3A_389 = arith.maximumf %parallel_loop3A_386, %parallel_loop3A_388 : vector<16xf32>
      %parallel_loop3A_390 = arith.constant 9.99999995E+11 : f32
      %parallel_loop3A_391 = vector.broadcast %parallel_loop3A_390 : f32 to vector<16xf32>
      %parallel_loop3A_392 = arith.minimumf %parallel_loop3A_389, %parallel_loop3A_391 : vector<16xf32>
      %parallel_loop3A_393 = arith.addf %parallel_loop3A_305, %parallel_loop3A_392 : vector<16xf32>
      %parallel_loop3A_394 = arith.constant 1 : i32
      %parallel_loop3A_395 = arith.index_cast %parallel_loop3A_394 : i32 to index
      %parallel_loop3A_396 = arith.index_cast %parallel_loop3A_301 : i32 to index
      %parallel_loop3A_397 = arith.constant 64 : index
      %parallel_loop3A_398 = tpu.vector_load %arg8[%parallel_loop3A_395, %parallel_loop3A_396, %parallel_loop3A_397] {strides = array<i32>} : memref<3x128x128xf32, #tpu.memory_space<vmem>>, vector<1x1x16xf32>,
      %parallel_loop3A_399 = vector.shape_cast %parallel_loop3A_398 : vector<1x1x16xf32> to vector<16xf32>
      %parallel_loop3A_400 = arith.constant 1 : i32
      %parallel_loop3A_401 = arith.index_cast %parallel_loop3A_400 : i32 to index
      %parallel_loop3A_402 = arith.index_cast %parallel_loop3A_301 : i32 to index
      %parallel_loop3A_403 = arith.constant 64 : index
      %parallel_loop3A_404 = tpu.vector_load %arg7[%parallel_loop3A_401, %parallel_loop3A_402, %parallel_loop3A_403] {strides = array<i32>} : memref<3x128x128xf32, #tpu.memory_space<vmem>>, vector<1x1x16xf32>,
      %parallel_loop3A_405 = vector.shape_cast %parallel_loop3A_404 : vector<1x1x16xf32> to vector<16xf32>
      %parallel_loop3A_406 = arith.subf %parallel_loop3A_399, %parallel_loop3A_405 : vector<16xf32>
      %parallel_loop3A_407 = arith.mulf %parallel_loop3A_406, %parallel_loop3A_406 : vector<16xf32>
      %parallel_loop3A_408 = arith.constant 9.99999996E-13 : f32
      %parallel_loop3A_409 = vector.broadcast %parallel_loop3A_408 : f32 to vector<16xf32>
      %parallel_loop3A_410 = arith.maximumf %parallel_loop3A_407, %parallel_loop3A_409 : vector<16xf32>
      %parallel_loop3A_411 = arith.constant 9.99999995E+11 : f32
      %parallel_loop3A_412 = vector.broadcast %parallel_loop3A_411 : f32 to vector<16xf32>
      %parallel_loop3A_413 = arith.minimumf %parallel_loop3A_410, %parallel_loop3A_412 : vector<16xf32>
      %parallel_loop3A_414 = arith.addf %parallel_loop3A_306, %parallel_loop3A_413 : vector<16xf32>
      %parallel_loop3A_415 = arith.constant 1 : i32
      %parallel_loop3A_416 = arith.index_cast %parallel_loop3A_415 : i32 to index
      %parallel_loop3A_417 = arith.index_cast %parallel_loop3A_301 : i32 to index
      %parallel_loop3A_418 = arith.constant 80 : index
      %parallel_loop3A_419 = tpu.vector_load %arg8[%parallel_loop3A_416, %parallel_loop3A_417, %parallel_loop3A_418] {strides = array<i32>} : memref<3x128x128xf32, #tpu.memory_space<vmem>>, vector<1x1x16xf32>,
      %parallel_loop3A_420 = vector.shape_cast %parallel_loop3A_419 : vector<1x1x16xf32> to vector<16xf32>
      %parallel_loop3A_421 = arith.constant 1 : i32
      %parallel_loop3A_422 = arith.index_cast %parallel_loop3A_421 : i32 to index
      %parallel_loop3A_423 = arith.index_cast %parallel_loop3A_301 : i32 to index
      %parallel_loop3A_424 = arith.constant 80 : index
      %parallel_loop3A_425 = tpu.vector_load %arg7[%parallel_loop3A_422, %parallel_loop3A_423, %parallel_loop3A_424] {strides = array<i32>} : memref<3x128x128xf32, #tpu.memory_space<vmem>>, vector<1x1x16xf32>,
      %parallel_loop3A_426 = vector.shape_cast %parallel_loop3A_425 : vector<1x1x16xf32> to vector<16xf32>
      %parallel_loop3A_427 = arith.subf %parallel_loop3A_420, %parallel_loop3A_426 : vector<16xf32>
      %parallel_loop3A_428 = arith.mulf %parallel_loop3A_427, %parallel_loop3A_427 : vector<16xf32>
      %parallel_loop3A_429 = arith.constant 9.99999996E-13 : f32
      %parallel_loop3A_430 = vector.broadcast %parallel_loop3A_429 : f32 to vector<16xf32>
      %parallel_loop3A_431 = arith.maximumf %parallel_loop3A_428, %parallel_loop3A_430 : vector<16xf32>
      %parallel_loop3A_432 = arith.constant 9.99999995E+11 : f32
      %parallel_loop3A_433 = vector.broadcast %parallel_loop3A_432 : f32 to vector<16xf32>
      %parallel_loop3A_434 = arith.minimumf %parallel_loop3A_431, %parallel_loop3A_433 : vector<16xf32>
      %parallel_loop3A_435 = arith.addf %parallel_loop3A_307, %parallel_loop3A_434 : vector<16xf32>
      %parallel_loop3A_436 = arith.constant 1 : i32
      %parallel_loop3A_437 = arith.index_cast %parallel_loop3A_436 : i32 to index
      %parallel_loop3A_438 = arith.index_cast %parallel_loop3A_301 : i32 to index
      %parallel_loop3A_439 = arith.constant 96 : index
      %parallel_loop3A_440 = tpu.vector_load %arg8[%parallel_loop3A_437, %parallel_loop3A_438, %parallel_loop3A_439] {strides = array<i32>} : memref<3x128x128xf32, #tpu.memory_space<vmem>>, vector<1x1x16xf32>,
      %parallel_loop3A_441 = vector.shape_cast %parallel_loop3A_440 : vector<1x1x16xf32> to vector<16xf32>
      %parallel_loop3A_442 = arith.constant 1 : i32
      %parallel_loop3A_443 = arith.index_cast %parallel_loop3A_442 : i32 to index
      %parallel_loop3A_444 = arith.index_cast %parallel_loop3A_301 : i32 to index
      %parallel_loop3A_445 = arith.constant 96 : index
      %parallel_loop3A_446 = tpu.vector_load %arg7[%parallel_loop3A_443, %parallel_loop3A_444, %parallel_loop3A_445] {strides = array<i32>} : memref<3x128x128xf32, #tpu.memory_space<vmem>>, vector<1x1x16xf32>,
      %parallel_loop3A_447 = vector.shape_cast %parallel_loop3A_446 : vector<1x1x16xf32> to vector<16xf32>
      %parallel_loop3A_448 = arith.subf %parallel_loop3A_441, %parallel_loop3A_447 : vector<16xf32>
      %parallel_loop3A_449 = arith.mulf %parallel_loop3A_448, %parallel_loop3A_448 : vector<16xf32>
      %parallel_loop3A_450 = arith.constant 9.99999996E-13 : f32
      %parallel_loop3A_451 = vector.broadcast %parallel_loop3A_450 : f32 to vector<16xf32>
      %parallel_loop3A_452 = arith.maximumf %parallel_loop3A_449, %parallel_loop3A_451 : vector<16xf32>
      %parallel_loop3A_453 = arith.constant 9.99999995E+11 : f32
      %parallel_loop3A_454 = vector.broadcast %parallel_loop3A_453 : f32 to vector<16xf32>
      %parallel_loop3A_455 = arith.minimumf %parallel_loop3A_452, %parallel_loop3A_454 : vector<16xf32>
      %parallel_loop3A_456 = arith.addf %parallel_loop3A_308, %parallel_loop3A_455 : vector<16xf32>
      %parallel_loop3A_457 = arith.constant 1 : i32
      %parallel_loop3A_458 = arith.index_cast %parallel_loop3A_457 : i32 to index
      %parallel_loop3A_459 = arith.index_cast %parallel_loop3A_301 : i32 to index
      %parallel_loop3A_460 = arith.constant 112 : index
      %parallel_loop3A_461 = tpu.vector_load %arg8[%parallel_loop3A_458, %parallel_loop3A_459, %parallel_loop3A_460] {strides = array<i32>} : memref<3x128x128xf32, #tpu.memory_space<vmem>>, vector<1x1x16xf32>,
      %parallel_loop3A_462 = vector.shape_cast %parallel_loop3A_461 : vector<1x1x16xf32> to vector<16xf32>
      %parallel_loop3A_463 = arith.constant 1 : i32
      %parallel_loop3A_464 = arith.index_cast %parallel_loop3A_463 : i32 to index
      %parallel_loop3A_465 = arith.index_cast %parallel_loop3A_301 : i32 to index
      %parallel_loop3A_466 = arith.constant 112 : index
      %parallel_loop3A_467 = tpu.vector_load %arg7[%parallel_loop3A_464, %parallel_loop3A_465, %parallel_loop3A_466] {strides = array<i32>} : memref<3x128x128xf32, #tpu.memory_space<vmem>>, vector<1x1x16xf32>,
      %parallel_loop3A_468 = vector.shape_cast %parallel_loop3A_467 : vector<1x1x16xf32> to vector<16xf32>
      %parallel_loop3A_469 = arith.subf %parallel_loop3A_462, %parallel_loop3A_468 : vector<16xf32>
      %parallel_loop3A_470 = arith.mulf %parallel_loop3A_469, %parallel_loop3A_469 : vector<16xf32>
      %parallel_loop3A_471 = arith.constant 9.99999996E-13 : f32
      %parallel_loop3A_472 = vector.broadcast %parallel_loop3A_471 : f32 to vector<16xf32>
      %parallel_loop3A_473 = arith.maximumf %parallel_loop3A_470, %parallel_loop3A_472 : vector<16xf32>
      %parallel_loop3A_474 = arith.constant 9.99999995E+11 : f32
      %parallel_loop3A_475 = vector.broadcast %parallel_loop3A_474 : f32 to vector<16xf32>
      %parallel_loop3A_476 = arith.minimumf %parallel_loop3A_473, %parallel_loop3A_475 : vector<16xf32>
      %parallel_loop3A_477 = arith.addf %parallel_loop3A_309, %parallel_loop3A_476 : vector<16xf32>
      scf.yield %parallel_loop3A_330, %parallel_loop3A_351, %parallel_loop3A_372, %parallel_loop3A_393, %parallel_loop3A_414, %parallel_loop3A_435, %parallel_loop3A_456, %parallel_loop3A_477 : vector<16xf32>, vector<16xf32>, vector<16xf32>, vector<16xf32>, vector<16xf32>, vector<16xf32>, vector<16xf32>, vector<16xf32>
    } {sc.loop_unroll_factor = 4 : i64, sc.parallel_access}
    %add3A_199 = arith.addf %parallel_loop3A_198#0, %parallel_loop3A_198#1 : vector<16xf32>
    %add3A_200 = arith.addf %add3A_199, %parallel_loop3A_198#2 : vector<16xf32>
    %add3A_201 = arith.addf %add3A_200, %parallel_loop3A_198#3 : vector<16xf32>
    %add3A_202 = arith.addf %add3A_201, %parallel_loop3A_198#4 : vector<16xf32>
    %add3A_203 = arith.addf %add3A_202, %parallel_loop3A_198#5 : vector<16xf32>
    %add3A_204 = arith.addf %add3A_203, %parallel_loop3A_198#6 : vector<16xf32>
    %add3A_205 = arith.addf %add3A_204, %parallel_loop3A_198#7 : vector<16xf32>
    %add3A_206 = arith.addf %add3A_132, %add3A_205 : vector<16xf32>
    %dma_wait3A_207 = arith.constant 2 : i32
    %dma_wait3A_208 = arith.constant 2 : i32
    %dma_wait3A_209 = arith.constant 0 : i32
    %dma_wait3A_210 = arith.constant 0 : i32
    %dma_wait3A_211 = tpu.memref_slice %arg7[%dma_wait3A_208, %dma_wait3A_209, %dma_wait3A_210] : memref<3x128x128xf32, #tpu.memory_space<vmem>> -> memref<1x128x128xf32, #tpu.memory_space<vmem>>
    %dma_wait3A_212 = tpu.memref_squeeze %dma_wait3A_211 : memref<1x128x128xf32, #tpu.memory_space<vmem>> -> memref<128x128xf32, #tpu.memory_space<vmem>>
    %dma_wait3A_213 = arith.constant 0 : i32
    %dma_wait3A_214 = tpu.memref_slice %arg6[%dma_wait3A_207, %dma_wait3A_213] : memref<4x128xi32, #tpu.memory_space<vmem>> -> memref<1x128xi32, #tpu.memory_space<vmem>>
    %dma_wait3A_215 = tpu.memref_squeeze %dma_wait3A_214 : memref<1x128xi32, #tpu.memory_space<vmem>> -> memref<128xi32, #tpu.memory_space<vmem>>
    %dma_wait3A_216 = arith.constant 0 : i32
    %dma_wait3A_217 = arith.constant 0 : i32
    %dma_wait3A_218 = tpu.memref_slice %arg4[%dma_wait3A_216, %dma_wait3A_217] : memref<100000x128xf32, #tpu.memory_space<hbm>> -> memref<100000x128xf32, #tpu.memory_space<hbm>>
    tpu.wait_indirect_dma semaphore(%arg12 : memref<!tpu.dma_semaphore, #tpu.memory_space<semaphore_mem>>) src(%dma_wait3A_218 : memref<100000x128xf32, #tpu.memory_space<hbm>>) dst(%dma_wait3A_212 : memref<128x128xf32, #tpu.memory_space<vmem>>)
    %dma_wait3A_219 = arith.constant 2 : i32
    %dma_wait3A_220 = arith.constant 2 : i32
    %dma_wait3A_221 = arith.constant 0 : i32
    %dma_wait3A_222 = arith.constant 0 : i32
    %dma_wait3A_223 = tpu.memref_slice %arg8[%dma_wait3A_220, %dma_wait3A_221, %dma_wait3A_222] : memref<3x128x128xf32, #tpu.memory_space<vmem>> -> memref<1x128x128xf32, #tpu.memory_space<vmem>>
    %dma_wait3A_224 = tpu.memref_squeeze %dma_wait3A_223 : memref<1x128x128xf32, #tpu.memory_space<vmem>> -> memref<128x128xf32, #tpu.memory_space<vmem>>
    %dma_wait3A_225 = arith.constant 0 : i32
    %dma_wait3A_226 = arith.constant 0 : i32
    %dma_wait3A_227 = tpu.memref_slice %arg2[%add3A, %dma_wait3A_219, %dma_wait3A_225, %dma_wait3A_226] : memref<32x4x128x128xf32, #tpu.memory_space<hbm>> -> memref<1x1x128x128xf32, #tpu.memory_space<hbm>>
    %dma_wait3A_228 = tpu.memref_squeeze %dma_wait3A_227 : memref<1x1x128x128xf32, #tpu.memory_space<hbm>> -> memref<128x128xf32, #tpu.memory_space<hbm>>
    %dma_wait3A_229 = arith.constant 0 : i32
    %dma_wait3A_230 = arith.constant 0 : i32
    %dma_wait3A_231 = tpu.memref_slice %arg8[%dma_wait3A_220, %dma_wait3A_229, %dma_wait3A_230] : memref<3x128x128xf32, #tpu.memory_space<vmem>> -> memref<1x128x128xf32, #tpu.memory_space<vmem>>
    %dma_wait3A_232 = tpu.memref_squeeze %dma_wait3A_231 : memref<1x128x128xf32, #tpu.memory_space<vmem>> -> memref<128x128xf32, #tpu.memory_space<vmem>>
    %dma_wait3A_233 = arith.constant 0 : i32
    %dma_wait3A_234 = arith.constant 0 : i32
    %dma_wait3A_235 = tpu.memref_slice %arg2[%add3A, %dma_wait3A_219, %dma_wait3A_233, %dma_wait3A_234] : memref<32x4x128x128xf32, #tpu.memory_space<hbm>> -> memref<1x1x128x128xf32, #tpu.memory_space<hbm>>
    %dma_wait3A_236 = tpu.memref_squeeze %dma_wait3A_235 : memref<1x1x128x128xf32, #tpu.memory_space<hbm>> -> memref<128x128xf32, #tpu.memory_space<hbm>>
    tpu.wait_dma2 semaphore(%arg15 : memref<!tpu.dma_semaphore, #tpu.memory_space<semaphore_mem>>) src(%dma_wait3A_236 : memref<128x128xf32, #tpu.memory_space<hbm>>) dst(%dma_wait3A_232 : memref<128x128xf32, #tpu.memory_space<vmem>>)
    %broadcast_in_dim3A_237 = arith.constant 0.000000e+00 : f32
    %broadcast_in_dim3A_238 = vector.broadcast %broadcast_in_dim3A_237 : f32 to vector<16xf32>
    %parallel_loop3A_239 = arith.constant 0 : i32
    %parallel_loop3A_240 = arith.constant 128 : i32
    %parallel_loop3A_241 = arith.constant 1 : i32
    %parallel_loop3A_242:8 = scf.for %parallel_loop3A_301 = %parallel_loop3A_239 to %parallel_loop3A_240 step %parallel_loop3A_241 iter_args(%parallel_loop3A_302 = %broadcast_in_dim3A_238, %parallel_loop3A_303 = %broadcast_in_dim3A_238, %parallel_loop3A_304 = %broadcast_in_dim3A_238, %parallel_loop3A_305 = %broadcast_in_dim3A_238, %parallel_loop3A_306 = %broadcast_in_dim3A_238, %parallel_loop3A_307 = %broadcast_in_dim3A_238, %parallel_loop3A_308 = %broadcast_in_dim3A_238, %parallel_loop3A_309 = %broadcast_in_dim3A_238) -> (vector<16xf32>, vector<16xf32>, vector<16xf32>, vector<16xf32>, vector<16xf32>, vector<16xf32>, vector<16xf32>, vector<16xf32>)  : i32 {
      %parallel_loop3A_310 = arith.constant 2 : i32
      %parallel_loop3A_311 = arith.index_cast %parallel_loop3A_310 : i32 to index
      %parallel_loop3A_312 = arith.index_cast %parallel_loop3A_301 : i32 to index
      %parallel_loop3A_313 = arith.constant 0 : index
      %parallel_loop3A_314 = tpu.vector_load %arg8[%parallel_loop3A_311, %parallel_loop3A_312, %parallel_loop3A_313] {strides = array<i32>} : memref<3x128x128xf32, #tpu.memory_space<vmem>>, vector<1x1x16xf32>,
      %parallel_loop3A_315 = vector.shape_cast %parallel_loop3A_314 : vector<1x1x16xf32> to vector<16xf32>
      %parallel_loop3A_316 = arith.constant 2 : i32
      %parallel_loop3A_317 = arith.index_cast %parallel_loop3A_316 : i32 to index
      %parallel_loop3A_318 = arith.index_cast %parallel_loop3A_301 : i32 to index
      %parallel_loop3A_319 = arith.constant 0 : index
      %parallel_loop3A_320 = tpu.vector_load %arg7[%parallel_loop3A_317, %parallel_loop3A_318, %parallel_loop3A_319] {strides = array<i32>} : memref<3x128x128xf32, #tpu.memory_space<vmem>>, vector<1x1x16xf32>,
      %parallel_loop3A_321 = vector.shape_cast %parallel_loop3A_320 : vector<1x1x16xf32> to vector<16xf32>
      %parallel_loop3A_322 = arith.subf %parallel_loop3A_315, %parallel_loop3A_321 : vector<16xf32>
      %parallel_loop3A_323 = arith.mulf %parallel_loop3A_322, %parallel_loop3A_322 : vector<16xf32>
      %parallel_loop3A_324 = arith.constant 9.99999996E-13 : f32
      %parallel_loop3A_325 = vector.broadcast %parallel_loop3A_324 : f32 to vector<16xf32>
      %parallel_loop3A_326 = arith.maximumf %parallel_loop3A_323, %parallel_loop3A_325 : vector<16xf32>
      %parallel_loop3A_327 = arith.constant 9.99999995E+11 : f32
      %parallel_loop3A_328 = vector.broadcast %parallel_loop3A_327 : f32 to vector<16xf32>
      %parallel_loop3A_329 = arith.minimumf %parallel_loop3A_326, %parallel_loop3A_328 : vector<16xf32>
      %parallel_loop3A_330 = arith.addf %parallel_loop3A_302, %parallel_loop3A_329 : vector<16xf32>
      %parallel_loop3A_331 = arith.constant 2 : i32
      %parallel_loop3A_332 = arith.index_cast %parallel_loop3A_331 : i32 to index
      %parallel_loop3A_333 = arith.index_cast %parallel_loop3A_301 : i32 to index
      %parallel_loop3A_334 = arith.constant 16 : index
      %parallel_loop3A_335 = tpu.vector_load %arg8[%parallel_loop3A_332, %parallel_loop3A_333, %parallel_loop3A_334] {strides = array<i32>} : memref<3x128x128xf32, #tpu.memory_space<vmem>>, vector<1x1x16xf32>,
      %parallel_loop3A_336 = vector.shape_cast %parallel_loop3A_335 : vector<1x1x16xf32> to vector<16xf32>
      %parallel_loop3A_337 = arith.constant 2 : i32
      %parallel_loop3A_338 = arith.index_cast %parallel_loop3A_337 : i32 to index
      %parallel_loop3A_339 = arith.index_cast %parallel_loop3A_301 : i32 to index
      %parallel_loop3A_340 = arith.constant 16 : index
      %parallel_loop3A_341 = tpu.vector_load %arg7[%parallel_loop3A_338, %parallel_loop3A_339, %parallel_loop3A_340] {strides = array<i32>} : memref<3x128x128xf32, #tpu.memory_space<vmem>>, vector<1x1x16xf32>,
      %parallel_loop3A_342 = vector.shape_cast %parallel_loop3A_341 : vector<1x1x16xf32> to vector<16xf32>
      %parallel_loop3A_343 = arith.subf %parallel_loop3A_336, %parallel_loop3A_342 : vector<16xf32>
      %parallel_loop3A_344 = arith.mulf %parallel_loop3A_343, %parallel_loop3A_343 : vector<16xf32>
      %parallel_loop3A_345 = arith.constant 9.99999996E-13 : f32
      %parallel_loop3A_346 = vector.broadcast %parallel_loop3A_345 : f32 to vector<16xf32>
      %parallel_loop3A_347 = arith.maximumf %parallel_loop3A_344, %parallel_loop3A_346 : vector<16xf32>
      %parallel_loop3A_348 = arith.constant 9.99999995E+11 : f32
      %parallel_loop3A_349 = vector.broadcast %parallel_loop3A_348 : f32 to vector<16xf32>
      %parallel_loop3A_350 = arith.minimumf %parallel_loop3A_347, %parallel_loop3A_349 : vector<16xf32>
      %parallel_loop3A_351 = arith.addf %parallel_loop3A_303, %parallel_loop3A_350 : vector<16xf32>
      %parallel_loop3A_352 = arith.constant 2 : i32
      %parallel_loop3A_353 = arith.index_cast %parallel_loop3A_352 : i32 to index
      %parallel_loop3A_354 = arith.index_cast %parallel_loop3A_301 : i32 to index
      %parallel_loop3A_355 = arith.constant 32 : index
      %parallel_loop3A_356 = tpu.vector_load %arg8[%parallel_loop3A_353, %parallel_loop3A_354, %parallel_loop3A_355] {strides = array<i32>} : memref<3x128x128xf32, #tpu.memory_space<vmem>>, vector<1x1x16xf32>,
      %parallel_loop3A_357 = vector.shape_cast %parallel_loop3A_356 : vector<1x1x16xf32> to vector<16xf32>
      %parallel_loop3A_358 = arith.constant 2 : i32
      %parallel_loop3A_359 = arith.index_cast %parallel_loop3A_358 : i32 to index
      %parallel_loop3A_360 = arith.index_cast %parallel_loop3A_301 : i32 to index
      %parallel_loop3A_361 = arith.constant 32 : index
      %parallel_loop3A_362 = tpu.vector_load %arg7[%parallel_loop3A_359, %parallel_loop3A_360, %parallel_loop3A_361] {strides = array<i32>} : memref<3x128x128xf32, #tpu.memory_space<vmem>>, vector<1x1x16xf32>,
      %parallel_loop3A_363 = vector.shape_cast %parallel_loop3A_362 : vector<1x1x16xf32> to vector<16xf32>
      %parallel_loop3A_364 = arith.subf %parallel_loop3A_357, %parallel_loop3A_363 : vector<16xf32>
      %parallel_loop3A_365 = arith.mulf %parallel_loop3A_364, %parallel_loop3A_364 : vector<16xf32>
      %parallel_loop3A_366 = arith.constant 9.99999996E-13 : f32
      %parallel_loop3A_367 = vector.broadcast %parallel_loop3A_366 : f32 to vector<16xf32>
      %parallel_loop3A_368 = arith.maximumf %parallel_loop3A_365, %parallel_loop3A_367 : vector<16xf32>
      %parallel_loop3A_369 = arith.constant 9.99999995E+11 : f32
      %parallel_loop3A_370 = vector.broadcast %parallel_loop3A_369 : f32 to vector<16xf32>
      %parallel_loop3A_371 = arith.minimumf %parallel_loop3A_368, %parallel_loop3A_370 : vector<16xf32>
      %parallel_loop3A_372 = arith.addf %parallel_loop3A_304, %parallel_loop3A_371 : vector<16xf32>
      %parallel_loop3A_373 = arith.constant 2 : i32
      %parallel_loop3A_374 = arith.index_cast %parallel_loop3A_373 : i32 to index
      %parallel_loop3A_375 = arith.index_cast %parallel_loop3A_301 : i32 to index
      %parallel_loop3A_376 = arith.constant 48 : index
      %parallel_loop3A_377 = tpu.vector_load %arg8[%parallel_loop3A_374, %parallel_loop3A_375, %parallel_loop3A_376] {strides = array<i32>} : memref<3x128x128xf32, #tpu.memory_space<vmem>>, vector<1x1x16xf32>,
      %parallel_loop3A_378 = vector.shape_cast %parallel_loop3A_377 : vector<1x1x16xf32> to vector<16xf32>
      %parallel_loop3A_379 = arith.constant 2 : i32
      %parallel_loop3A_380 = arith.index_cast %parallel_loop3A_379 : i32 to index
      %parallel_loop3A_381 = arith.index_cast %parallel_loop3A_301 : i32 to index
      %parallel_loop3A_382 = arith.constant 48 : index
      %parallel_loop3A_383 = tpu.vector_load %arg7[%parallel_loop3A_380, %parallel_loop3A_381, %parallel_loop3A_382] {strides = array<i32>} : memref<3x128x128xf32, #tpu.memory_space<vmem>>, vector<1x1x16xf32>,
      %parallel_loop3A_384 = vector.shape_cast %parallel_loop3A_383 : vector<1x1x16xf32> to vector<16xf32>
      %parallel_loop3A_385 = arith.subf %parallel_loop3A_378, %parallel_loop3A_384 : vector<16xf32>
      %parallel_loop3A_386 = arith.mulf %parallel_loop3A_385, %parallel_loop3A_385 : vector<16xf32>
      %parallel_loop3A_387 = arith.constant 9.99999996E-13 : f32
      %parallel_loop3A_388 = vector.broadcast %parallel_loop3A_387 : f32 to vector<16xf32>
      %parallel_loop3A_389 = arith.maximumf %parallel_loop3A_386, %parallel_loop3A_388 : vector<16xf32>
      %parallel_loop3A_390 = arith.constant 9.99999995E+11 : f32
      %parallel_loop3A_391 = vector.broadcast %parallel_loop3A_390 : f32 to vector<16xf32>
      %parallel_loop3A_392 = arith.minimumf %parallel_loop3A_389, %parallel_loop3A_391 : vector<16xf32>
      %parallel_loop3A_393 = arith.addf %parallel_loop3A_305, %parallel_loop3A_392 : vector<16xf32>
      %parallel_loop3A_394 = arith.constant 2 : i32
      %parallel_loop3A_395 = arith.index_cast %parallel_loop3A_394 : i32 to index
      %parallel_loop3A_396 = arith.index_cast %parallel_loop3A_301 : i32 to index
      %parallel_loop3A_397 = arith.constant 64 : index
      %parallel_loop3A_398 = tpu.vector_load %arg8[%parallel_loop3A_395, %parallel_loop3A_396, %parallel_loop3A_397] {strides = array<i32>} : memref<3x128x128xf32, #tpu.memory_space<vmem>>, vector<1x1x16xf32>,
      %parallel_loop3A_399 = vector.shape_cast %parallel_loop3A_398 : vector<1x1x16xf32> to vector<16xf32>
      %parallel_loop3A_400 = arith.constant 2 : i32
      %parallel_loop3A_401 = arith.index_cast %parallel_loop3A_400 : i32 to index
      %parallel_loop3A_402 = arith.index_cast %parallel_loop3A_301 : i32 to index
      %parallel_loop3A_403 = arith.constant 64 : index
      %parallel_loop3A_404 = tpu.vector_load %arg7[%parallel_loop3A_401, %parallel_loop3A_402, %parallel_loop3A_403] {strides = array<i32>} : memref<3x128x128xf32, #tpu.memory_space<vmem>>, vector<1x1x16xf32>,
      %parallel_loop3A_405 = vector.shape_cast %parallel_loop3A_404 : vector<1x1x16xf32> to vector<16xf32>
      %parallel_loop3A_406 = arith.subf %parallel_loop3A_399, %parallel_loop3A_405 : vector<16xf32>
      %parallel_loop3A_407 = arith.mulf %parallel_loop3A_406, %parallel_loop3A_406 : vector<16xf32>
      %parallel_loop3A_408 = arith.constant 9.99999996E-13 : f32
      %parallel_loop3A_409 = vector.broadcast %parallel_loop3A_408 : f32 to vector<16xf32>
      %parallel_loop3A_410 = arith.maximumf %parallel_loop3A_407, %parallel_loop3A_409 : vector<16xf32>
      %parallel_loop3A_411 = arith.constant 9.99999995E+11 : f32
      %parallel_loop3A_412 = vector.broadcast %parallel_loop3A_411 : f32 to vector<16xf32>
      %parallel_loop3A_413 = arith.minimumf %parallel_loop3A_410, %parallel_loop3A_412 : vector<16xf32>
      %parallel_loop3A_414 = arith.addf %parallel_loop3A_306, %parallel_loop3A_413 : vector<16xf32>
      %parallel_loop3A_415 = arith.constant 2 : i32
      %parallel_loop3A_416 = arith.index_cast %parallel_loop3A_415 : i32 to index
      %parallel_loop3A_417 = arith.index_cast %parallel_loop3A_301 : i32 to index
      %parallel_loop3A_418 = arith.constant 80 : index
      %parallel_loop3A_419 = tpu.vector_load %arg8[%parallel_loop3A_416, %parallel_loop3A_417, %parallel_loop3A_418] {strides = array<i32>} : memref<3x128x128xf32, #tpu.memory_space<vmem>>, vector<1x1x16xf32>,
      %parallel_loop3A_420 = vector.shape_cast %parallel_loop3A_419 : vector<1x1x16xf32> to vector<16xf32>
      %parallel_loop3A_421 = arith.constant 2 : i32
      %parallel_loop3A_422 = arith.index_cast %parallel_loop3A_421 : i32 to index
      %parallel_loop3A_423 = arith.index_cast %parallel_loop3A_301 : i32 to index
      %parallel_loop3A_424 = arith.constant 80 : index
      %parallel_loop3A_425 = tpu.vector_load %arg7[%parallel_loop3A_422, %parallel_loop3A_423, %parallel_loop3A_424] {strides = array<i32>} : memref<3x128x128xf32, #tpu.memory_space<vmem>>, vector<1x1x16xf32>,
      %parallel_loop3A_426 = vector.shape_cast %parallel_loop3A_425 : vector<1x1x16xf32> to vector<16xf32>
      %parallel_loop3A_427 = arith.subf %parallel_loop3A_420, %parallel_loop3A_426 : vector<16xf32>
      %parallel_loop3A_428 = arith.mulf %parallel_loop3A_427, %parallel_loop3A_427 : vector<16xf32>
      %parallel_loop3A_429 = arith.constant 9.99999996E-13 : f32
      %parallel_loop3A_430 = vector.broadcast %parallel_loop3A_429 : f32 to vector<16xf32>
      %parallel_loop3A_431 = arith.maximumf %parallel_loop3A_428, %parallel_loop3A_430 : vector<16xf32>
      %parallel_loop3A_432 = arith.constant 9.99999995E+11 : f32
      %parallel_loop3A_433 = vector.broadcast %parallel_loop3A_432 : f32 to vector<16xf32>
      %parallel_loop3A_434 = arith.minimumf %parallel_loop3A_431, %parallel_loop3A_433 : vector<16xf32>
      %parallel_loop3A_435 = arith.addf %parallel_loop3A_307, %parallel_loop3A_434 : vector<16xf32>
      %parallel_loop3A_436 = arith.constant 2 : i32
      %parallel_loop3A_437 = arith.index_cast %parallel_loop3A_436 : i32 to index
      %parallel_loop3A_438 = arith.index_cast %parallel_loop3A_301 : i32 to index
      %parallel_loop3A_439 = arith.constant 96 : index
      %parallel_loop3A_440 = tpu.vector_load %arg8[%parallel_loop3A_437, %parallel_loop3A_438, %parallel_loop3A_439] {strides = array<i32>} : memref<3x128x128xf32, #tpu.memory_space<vmem>>, vector<1x1x16xf32>,
      %parallel_loop3A_441 = vector.shape_cast %parallel_loop3A_440 : vector<1x1x16xf32> to vector<16xf32>
      %parallel_loop3A_442 = arith.constant 2 : i32
      %parallel_loop3A_443 = arith.index_cast %parallel_loop3A_442 : i32 to index
      %parallel_loop3A_444 = arith.index_cast %parallel_loop3A_301 : i32 to index
      %parallel_loop3A_445 = arith.constant 96 : index
      %parallel_loop3A_446 = tpu.vector_load %arg7[%parallel_loop3A_443, %parallel_loop3A_444, %parallel_loop3A_445] {strides = array<i32>} : memref<3x128x128xf32, #tpu.memory_space<vmem>>, vector<1x1x16xf32>,
      %parallel_loop3A_447 = vector.shape_cast %parallel_loop3A_446 : vector<1x1x16xf32> to vector<16xf32>
      %parallel_loop3A_448 = arith.subf %parallel_loop3A_441, %parallel_loop3A_447 : vector<16xf32>
      %parallel_loop3A_449 = arith.mulf %parallel_loop3A_448, %parallel_loop3A_448 : vector<16xf32>
      %parallel_loop3A_450 = arith.constant 9.99999996E-13 : f32
      %parallel_loop3A_451 = vector.broadcast %parallel_loop3A_450 : f32 to vector<16xf32>
      %parallel_loop3A_452 = arith.maximumf %parallel_loop3A_449, %parallel_loop3A_451 : vector<16xf32>
      %parallel_loop3A_453 = arith.constant 9.99999995E+11 : f32
      %parallel_loop3A_454 = vector.broadcast %parallel_loop3A_453 : f32 to vector<16xf32>
      %parallel_loop3A_455 = arith.minimumf %parallel_loop3A_452, %parallel_loop3A_454 : vector<16xf32>
      %parallel_loop3A_456 = arith.addf %parallel_loop3A_308, %parallel_loop3A_455 : vector<16xf32>
      %parallel_loop3A_457 = arith.constant 2 : i32
      %parallel_loop3A_458 = arith.index_cast %parallel_loop3A_457 : i32 to index
      %parallel_loop3A_459 = arith.index_cast %parallel_loop3A_301 : i32 to index
      %parallel_loop3A_460 = arith.constant 112 : index
      %parallel_loop3A_461 = tpu.vector_load %arg8[%parallel_loop3A_458, %parallel_loop3A_459, %parallel_loop3A_460] {strides = array<i32>} : memref<3x128x128xf32, #tpu.memory_space<vmem>>, vector<1x1x16xf32>,
      %parallel_loop3A_462 = vector.shape_cast %parallel_loop3A_461 : vector<1x1x16xf32> to vector<16xf32>
      %parallel_loop3A_463 = arith.constant 2 : i32
      %parallel_loop3A_464 = arith.index_cast %parallel_loop3A_463 : i32 to index
      %parallel_loop3A_465 = arith.index_cast %parallel_loop3A_301 : i32 to index
      %parallel_loop3A_466 = arith.constant 112 : index
      %parallel_loop3A_467 = tpu.vector_load %arg7[%parallel_loop3A_464, %parallel_loop3A_465, %parallel_loop3A_466] {strides = array<i32>} : memref<3x128x128xf32, #tpu.memory_space<vmem>>, vector<1x1x16xf32>,
      %parallel_loop3A_468 = vector.shape_cast %parallel_loop3A_467 : vector<1x1x16xf32> to vector<16xf32>
      %parallel_loop3A_469 = arith.subf %parallel_loop3A_462, %parallel_loop3A_468 : vector<16xf32>
      %parallel_loop3A_470 = arith.mulf %parallel_loop3A_469, %parallel_loop3A_469 : vector<16xf32>
      %parallel_loop3A_471 = arith.constant 9.99999996E-13 : f32
      %parallel_loop3A_472 = vector.broadcast %parallel_loop3A_471 : f32 to vector<16xf32>
      %parallel_loop3A_473 = arith.maximumf %parallel_loop3A_470, %parallel_loop3A_472 : vector<16xf32>
      %parallel_loop3A_474 = arith.constant 9.99999995E+11 : f32
      %parallel_loop3A_475 = vector.broadcast %parallel_loop3A_474 : f32 to vector<16xf32>
      %parallel_loop3A_476 = arith.minimumf %parallel_loop3A_473, %parallel_loop3A_475 : vector<16xf32>
      %parallel_loop3A_477 = arith.addf %parallel_loop3A_309, %parallel_loop3A_476 : vector<16xf32>
      scf.yield %parallel_loop3A_330, %parallel_loop3A_351, %parallel_loop3A_372, %parallel_loop3A_393, %parallel_loop3A_414, %parallel_loop3A_435, %parallel_loop3A_456, %parallel_loop3A_477 : vector<16xf32>, vector<16xf32>, vector<16xf32>, vector<16xf32>, vector<16xf32>, vector<16xf32>, vector<16xf32>, vector<16xf32>
    } {sc.loop_unroll_factor = 4 : i64, sc.parallel_access}
    %add3A_243 = arith.addf %parallel_loop3A_242#0, %parallel_loop3A_242#1 : vector<16xf32>
    %add3A_244 = arith.addf %add3A_243, %parallel_loop3A_242#2 : vector<16xf32>
    %add3A_245 = arith.addf %add3A_244, %parallel_loop3A_242#3 : vector<16xf32>
    %add3A_246 = arith.addf %add3A_245, %parallel_loop3A_242#4 : vector<16xf32>
    %add3A_247 = arith.addf %add3A_246, %parallel_loop3A_242#5 : vector<16xf32>
    %add3A_248 = arith.addf %add3A_247, %parallel_loop3A_242#6 : vector<16xf32>
    %add3A_249 = arith.addf %add3A_248, %parallel_loop3A_242#7 : vector<16xf32>
    %add3A_250 = arith.addf %add3A_206, %add3A_249 : vector<16xf32>
    %dma_wait3A_251 = arith.constant 3 : i32
    %dma_wait3A_252 = arith.constant 0 : i32
    %dma_wait3A_253 = arith.constant 0 : i32
    %dma_wait3A_254 = arith.constant 0 : i32
    %dma_wait3A_255 = tpu.memref_slice %arg7[%dma_wait3A_252, %dma_wait3A_253, %dma_wait3A_254] : memref<3x128x128xf32, #tpu.memory_space<vmem>> -> memref<1x128x128xf32, #tpu.memory_space<vmem>>
    %dma_wait3A_256 = tpu.memref_squeeze %dma_wait3A_255 : memref<1x128x128xf32, #tpu.memory_space<vmem>> -> memref<128x128xf32, #tpu.memory_space<vmem>>
    %dma_wait3A_257 = arith.constant 0 : i32
    %dma_wait3A_258 = tpu.memref_slice %arg6[%dma_wait3A_251, %dma_wait3A_257] : memref<4x128xi32, #tpu.memory_space<vmem>> -> memref<1x128xi32, #tpu.memory_space<vmem>>
    %dma_wait3A_259 = tpu.memref_squeeze %dma_wait3A_258 : memref<1x128xi32, #tpu.memory_space<vmem>> -> memref<128xi32, #tpu.memory_space<vmem>>
    %dma_wait3A_260 = arith.constant 0 : i32
    %dma_wait3A_261 = arith.constant 0 : i32
    %dma_wait3A_262 = tpu.memref_slice %arg4[%dma_wait3A_260, %dma_wait3A_261] : memref<100000x128xf32, #tpu.memory_space<hbm>> -> memref<100000x128xf32, #tpu.memory_space<hbm>>
    tpu.wait_indirect_dma semaphore(%arg10 : memref<!tpu.dma_semaphore, #tpu.memory_space<semaphore_mem>>) src(%dma_wait3A_262 : memref<100000x128xf32, #tpu.memory_space<hbm>>) dst(%dma_wait3A_256 : memref<128x128xf32, #tpu.memory_space<vmem>>)
    %dma_wait3A_263 = arith.constant 3 : i32
    %dma_wait3A_264 = arith.constant 0 : i32
    %dma_wait3A_265 = arith.constant 0 : i32
    %dma_wait3A_266 = arith.constant 0 : i32
    %dma_wait3A_267 = tpu.memref_slice %arg8[%dma_wait3A_264, %dma_wait3A_265, %dma_wait3A_266] : memref<3x128x128xf32, #tpu.memory_space<vmem>> -> memref<1x128x128xf32, #tpu.memory_space<vmem>>
    %dma_wait3A_268 = tpu.memref_squeeze %dma_wait3A_267 : memref<1x128x128xf32, #tpu.memory_space<vmem>> -> memref<128x128xf32, #tpu.memory_space<vmem>>
    %dma_wait3A_269 = arith.constant 0 : i32
    %dma_wait3A_270 = arith.constant 0 : i32
    %dma_wait3A_271 = tpu.memref_slice %arg2[%add3A, %dma_wait3A_263, %dma_wait3A_269, %dma_wait3A_270] : memref<32x4x128x128xf32, #tpu.memory_space<hbm>> -> memref<1x1x128x128xf32, #tpu.memory_space<hbm>>
    %dma_wait3A_272 = tpu.memref_squeeze %dma_wait3A_271 : memref<1x1x128x128xf32, #tpu.memory_space<hbm>> -> memref<128x128xf32, #tpu.memory_space<hbm>>
    %dma_wait3A_273 = arith.constant 0 : i32
    %dma_wait3A_274 = arith.constant 0 : i32
    %dma_wait3A_275 = tpu.memref_slice %arg8[%dma_wait3A_264, %dma_wait3A_273, %dma_wait3A_274] : memref<3x128x128xf32, #tpu.memory_space<vmem>> -> memref<1x128x128xf32, #tpu.memory_space<vmem>>
    %dma_wait3A_276 = tpu.memref_squeeze %dma_wait3A_275 : memref<1x128x128xf32, #tpu.memory_space<vmem>> -> memref<128x128xf32, #tpu.memory_space<vmem>>
    %dma_wait3A_277 = arith.constant 0 : i32
    %dma_wait3A_278 = arith.constant 0 : i32
    %dma_wait3A_279 = tpu.memref_slice %arg2[%add3A, %dma_wait3A_263, %dma_wait3A_277, %dma_wait3A_278] : memref<32x4x128x128xf32, #tpu.memory_space<hbm>> -> memref<1x1x128x128xf32, #tpu.memory_space<hbm>>
    %dma_wait3A_280 = tpu.memref_squeeze %dma_wait3A_279 : memref<1x1x128x128xf32, #tpu.memory_space<hbm>> -> memref<128x128xf32, #tpu.memory_space<hbm>>
    tpu.wait_dma2 semaphore(%arg13 : memref<!tpu.dma_semaphore, #tpu.memory_space<semaphore_mem>>) src(%dma_wait3A_280 : memref<128x128xf32, #tpu.memory_space<hbm>>) dst(%dma_wait3A_276 : memref<128x128xf32, #tpu.memory_space<vmem>>)
    %broadcast_in_dim3A_281 = arith.constant 0.000000e+00 : f32
    %broadcast_in_dim3A_282 = vector.broadcast %broadcast_in_dim3A_281 : f32 to vector<16xf32>
    %parallel_loop3A_283 = arith.constant 0 : i32
    %parallel_loop3A_284 = arith.constant 128 : i32
    %parallel_loop3A_285 = arith.constant 1 : i32
    %parallel_loop3A_286:8 = scf.for %parallel_loop3A_301 = %parallel_loop3A_283 to %parallel_loop3A_284 step %parallel_loop3A_285 iter_args(%parallel_loop3A_302 = %broadcast_in_dim3A_282, %parallel_loop3A_303 = %broadcast_in_dim3A_282, %parallel_loop3A_304 = %broadcast_in_dim3A_282, %parallel_loop3A_305 = %broadcast_in_dim3A_282, %parallel_loop3A_306 = %broadcast_in_dim3A_282, %parallel_loop3A_307 = %broadcast_in_dim3A_282, %parallel_loop3A_308 = %broadcast_in_dim3A_282, %parallel_loop3A_309 = %broadcast_in_dim3A_282) -> (vector<16xf32>, vector<16xf32>, vector<16xf32>, vector<16xf32>, vector<16xf32>, vector<16xf32>, vector<16xf32>, vector<16xf32>)  : i32 {
      %parallel_loop3A_310 = arith.constant 0 : i32
      %parallel_loop3A_311 = arith.index_cast %parallel_loop3A_310 : i32 to index
      %parallel_loop3A_312 = arith.index_cast %parallel_loop3A_301 : i32 to index
      %parallel_loop3A_313 = arith.constant 0 : index
      %parallel_loop3A_314 = tpu.vector_load %arg8[%parallel_loop3A_311, %parallel_loop3A_312, %parallel_loop3A_313] {strides = array<i32>} : memref<3x128x128xf32, #tpu.memory_space<vmem>>, vector<1x1x16xf32>,
      %parallel_loop3A_315 = vector.shape_cast %parallel_loop3A_314 : vector<1x1x16xf32> to vector<16xf32>
      %parallel_loop3A_316 = arith.constant 0 : i32
      %parallel_loop3A_317 = arith.index_cast %parallel_loop3A_316 : i32 to index
      %parallel_loop3A_318 = arith.index_cast %parallel_loop3A_301 : i32 to index
      %parallel_loop3A_319 = arith.constant 0 : index
      %parallel_loop3A_320 = tpu.vector_load %arg7[%parallel_loop3A_317, %parallel_loop3A_318, %parallel_loop3A_319] {strides = array<i32>} : memref<3x128x128xf32, #tpu.memory_space<vmem>>, vector<1x1x16xf32>,
      %parallel_loop3A_321 = vector.shape_cast %parallel_loop3A_320 : vector<1x1x16xf32> to vector<16xf32>
      %parallel_loop3A_322 = arith.subf %parallel_loop3A_315, %parallel_loop3A_321 : vector<16xf32>
      %parallel_loop3A_323 = arith.mulf %parallel_loop3A_322, %parallel_loop3A_322 : vector<16xf32>
      %parallel_loop3A_324 = arith.constant 9.99999996E-13 : f32
      %parallel_loop3A_325 = vector.broadcast %parallel_loop3A_324 : f32 to vector<16xf32>
      %parallel_loop3A_326 = arith.maximumf %parallel_loop3A_323, %parallel_loop3A_325 : vector<16xf32>
      %parallel_loop3A_327 = arith.constant 9.99999995E+11 : f32
      %parallel_loop3A_328 = vector.broadcast %parallel_loop3A_327 : f32 to vector<16xf32>
      %parallel_loop3A_329 = arith.minimumf %parallel_loop3A_326, %parallel_loop3A_328 : vector<16xf32>
      %parallel_loop3A_330 = arith.addf %parallel_loop3A_302, %parallel_loop3A_329 : vector<16xf32>
      %parallel_loop3A_331 = arith.constant 0 : i32
      %parallel_loop3A_332 = arith.index_cast %parallel_loop3A_331 : i32 to index
      %parallel_loop3A_333 = arith.index_cast %parallel_loop3A_301 : i32 to index
      %parallel_loop3A_334 = arith.constant 16 : index
      %parallel_loop3A_335 = tpu.vector_load %arg8[%parallel_loop3A_332, %parallel_loop3A_333, %parallel_loop3A_334] {strides = array<i32>} : memref<3x128x128xf32, #tpu.memory_space<vmem>>, vector<1x1x16xf32>,
      %parallel_loop3A_336 = vector.shape_cast %parallel_loop3A_335 : vector<1x1x16xf32> to vector<16xf32>
      %parallel_loop3A_337 = arith.constant 0 : i32
      %parallel_loop3A_338 = arith.index_cast %parallel_loop3A_337 : i32 to index
      %parallel_loop3A_339 = arith.index_cast %parallel_loop3A_301 : i32 to index
      %parallel_loop3A_340 = arith.constant 16 : index
      %parallel_loop3A_341 = tpu.vector_load %arg7[%parallel_loop3A_338, %parallel_loop3A_339, %parallel_loop3A_340] {strides = array<i32>} : memref<3x128x128xf32, #tpu.memory_space<vmem>>, vector<1x1x16xf32>,
      %parallel_loop3A_342 = vector.shape_cast %parallel_loop3A_341 : vector<1x1x16xf32> to vector<16xf32>
      %parallel_loop3A_343 = arith.subf %parallel_loop3A_336, %parallel_loop3A_342 : vector<16xf32>
      %parallel_loop3A_344 = arith.mulf %parallel_loop3A_343, %parallel_loop3A_343 : vector<16xf32>
      %parallel_loop3A_345 = arith.constant 9.99999996E-13 : f32
      %parallel_loop3A_346 = vector.broadcast %parallel_loop3A_345 : f32 to vector<16xf32>
      %parallel_loop3A_347 = arith.maximumf %parallel_loop3A_344, %parallel_loop3A_346 : vector<16xf32>
      %parallel_loop3A_348 = arith.constant 9.99999995E+11 : f32
      %parallel_loop3A_349 = vector.broadcast %parallel_loop3A_348 : f32 to vector<16xf32>
      %parallel_loop3A_350 = arith.minimumf %parallel_loop3A_347, %parallel_loop3A_349 : vector<16xf32>
      %parallel_loop3A_351 = arith.addf %parallel_loop3A_303, %parallel_loop3A_350 : vector<16xf32>
      %parallel_loop3A_352 = arith.constant 0 : i32
      %parallel_loop3A_353 = arith.index_cast %parallel_loop3A_352 : i32 to index
      %parallel_loop3A_354 = arith.index_cast %parallel_loop3A_301 : i32 to index
      %parallel_loop3A_355 = arith.constant 32 : index
      %parallel_loop3A_356 = tpu.vector_load %arg8[%parallel_loop3A_353, %parallel_loop3A_354, %parallel_loop3A_355] {strides = array<i32>} : memref<3x128x128xf32, #tpu.memory_space<vmem>>, vector<1x1x16xf32>,
      %parallel_loop3A_357 = vector.shape_cast %parallel_loop3A_356 : vector<1x1x16xf32> to vector<16xf32>
      %parallel_loop3A_358 = arith.constant 0 : i32
      %parallel_loop3A_359 = arith.index_cast %parallel_loop3A_358 : i32 to index
      %parallel_loop3A_360 = arith.index_cast %parallel_loop3A_301 : i32 to index
      %parallel_loop3A_361 = arith.constant 32 : index
      %parallel_loop3A_362 = tpu.vector_load %arg7[%parallel_loop3A_359, %parallel_loop3A_360, %parallel_loop3A_361] {strides = array<i32>} : memref<3x128x128xf32, #tpu.memory_space<vmem>>, vector<1x1x16xf32>,
      %parallel_loop3A_363 = vector.shape_cast %parallel_loop3A_362 : vector<1x1x16xf32> to vector<16xf32>
      %parallel_loop3A_364 = arith.subf %parallel_loop3A_357, %parallel_loop3A_363 : vector<16xf32>
      %parallel_loop3A_365 = arith.mulf %parallel_loop3A_364, %parallel_loop3A_364 : vector<16xf32>
      %parallel_loop3A_366 = arith.constant 9.99999996E-13 : f32
      %parallel_loop3A_367 = vector.broadcast %parallel_loop3A_366 : f32 to vector<16xf32>
      %parallel_loop3A_368 = arith.maximumf %parallel_loop3A_365, %parallel_loop3A_367 : vector<16xf32>
      %parallel_loop3A_369 = arith.constant 9.99999995E+11 : f32
      %parallel_loop3A_370 = vector.broadcast %parallel_loop3A_369 : f32 to vector<16xf32>
      %parallel_loop3A_371 = arith.minimumf %parallel_loop3A_368, %parallel_loop3A_370 : vector<16xf32>
      %parallel_loop3A_372 = arith.addf %parallel_loop3A_304, %parallel_loop3A_371 : vector<16xf32>
      %parallel_loop3A_373 = arith.constant 0 : i32
      %parallel_loop3A_374 = arith.index_cast %parallel_loop3A_373 : i32 to index
      %parallel_loop3A_375 = arith.index_cast %parallel_loop3A_301 : i32 to index
      %parallel_loop3A_376 = arith.constant 48 : index
      %parallel_loop3A_377 = tpu.vector_load %arg8[%parallel_loop3A_374, %parallel_loop3A_375, %parallel_loop3A_376] {strides = array<i32>} : memref<3x128x128xf32, #tpu.memory_space<vmem>>, vector<1x1x16xf32>,
      %parallel_loop3A_378 = vector.shape_cast %parallel_loop3A_377 : vector<1x1x16xf32> to vector<16xf32>
      %parallel_loop3A_379 = arith.constant 0 : i32
      %parallel_loop3A_380 = arith.index_cast %parallel_loop3A_379 : i32 to index
      %parallel_loop3A_381 = arith.index_cast %parallel_loop3A_301 : i32 to index
      %parallel_loop3A_382 = arith.constant 48 : index
      %parallel_loop3A_383 = tpu.vector_load %arg7[%parallel_loop3A_380, %parallel_loop3A_381, %parallel_loop3A_382] {strides = array<i32>} : memref<3x128x128xf32, #tpu.memory_space<vmem>>, vector<1x1x16xf32>,
      %parallel_loop3A_384 = vector.shape_cast %parallel_loop3A_383 : vector<1x1x16xf32> to vector<16xf32>
      %parallel_loop3A_385 = arith.subf %parallel_loop3A_378, %parallel_loop3A_384 : vector<16xf32>
      %parallel_loop3A_386 = arith.mulf %parallel_loop3A_385, %parallel_loop3A_385 : vector<16xf32>
      %parallel_loop3A_387 = arith.constant 9.99999996E-13 : f32
      %parallel_loop3A_388 = vector.broadcast %parallel_loop3A_387 : f32 to vector<16xf32>
      %parallel_loop3A_389 = arith.maximumf %parallel_loop3A_386, %parallel_loop3A_388 : vector<16xf32>
      %parallel_loop3A_390 = arith.constant 9.99999995E+11 : f32
      %parallel_loop3A_391 = vector.broadcast %parallel_loop3A_390 : f32 to vector<16xf32>
      %parallel_loop3A_392 = arith.minimumf %parallel_loop3A_389, %parallel_loop3A_391 : vector<16xf32>
      %parallel_loop3A_393 = arith.addf %parallel_loop3A_305, %parallel_loop3A_392 : vector<16xf32>
      %parallel_loop3A_394 = arith.constant 0 : i32
      %parallel_loop3A_395 = arith.index_cast %parallel_loop3A_394 : i32 to index
      %parallel_loop3A_396 = arith.index_cast %parallel_loop3A_301 : i32 to index
      %parallel_loop3A_397 = arith.constant 64 : index
      %parallel_loop3A_398 = tpu.vector_load %arg8[%parallel_loop3A_395, %parallel_loop3A_396, %parallel_loop3A_397] {strides = array<i32>} : memref<3x128x128xf32, #tpu.memory_space<vmem>>, vector<1x1x16xf32>,
      %parallel_loop3A_399 = vector.shape_cast %parallel_loop3A_398 : vector<1x1x16xf32> to vector<16xf32>
      %parallel_loop3A_400 = arith.constant 0 : i32
      %parallel_loop3A_401 = arith.index_cast %parallel_loop3A_400 : i32 to index
      %parallel_loop3A_402 = arith.index_cast %parallel_loop3A_301 : i32 to index
      %parallel_loop3A_403 = arith.constant 64 : index
      %parallel_loop3A_404 = tpu.vector_load %arg7[%parallel_loop3A_401, %parallel_loop3A_402, %parallel_loop3A_403] {strides = array<i32>} : memref<3x128x128xf32, #tpu.memory_space<vmem>>, vector<1x1x16xf32>,
      %parallel_loop3A_405 = vector.shape_cast %parallel_loop3A_404 : vector<1x1x16xf32> to vector<16xf32>
      %parallel_loop3A_406 = arith.subf %parallel_loop3A_399, %parallel_loop3A_405 : vector<16xf32>
      %parallel_loop3A_407 = arith.mulf %parallel_loop3A_406, %parallel_loop3A_406 : vector<16xf32>
      %parallel_loop3A_408 = arith.constant 9.99999996E-13 : f32
      %parallel_loop3A_409 = vector.broadcast %parallel_loop3A_408 : f32 to vector<16xf32>
      %parallel_loop3A_410 = arith.maximumf %parallel_loop3A_407, %parallel_loop3A_409 : vector<16xf32>
      %parallel_loop3A_411 = arith.constant 9.99999995E+11 : f32
      %parallel_loop3A_412 = vector.broadcast %parallel_loop3A_411 : f32 to vector<16xf32>
      %parallel_loop3A_413 = arith.minimumf %parallel_loop3A_410, %parallel_loop3A_412 : vector<16xf32>
      %parallel_loop3A_414 = arith.addf %parallel_loop3A_306, %parallel_loop3A_413 : vector<16xf32>
      %parallel_loop3A_415 = arith.constant 0 : i32
      %parallel_loop3A_416 = arith.index_cast %parallel_loop3A_415 : i32 to index
      %parallel_loop3A_417 = arith.index_cast %parallel_loop3A_301 : i32 to index
      %parallel_loop3A_418 = arith.constant 80 : index
      %parallel_loop3A_419 = tpu.vector_load %arg8[%parallel_loop3A_416, %parallel_loop3A_417, %parallel_loop3A_418] {strides = array<i32>} : memref<3x128x128xf32, #tpu.memory_space<vmem>>, vector<1x1x16xf32>,
      %parallel_loop3A_420 = vector.shape_cast %parallel_loop3A_419 : vector<1x1x16xf32> to vector<16xf32>
      %parallel_loop3A_421 = arith.constant 0 : i32
      %parallel_loop3A_422 = arith.index_cast %parallel_loop3A_421 : i32 to index
      %parallel_loop3A_423 = arith.index_cast %parallel_loop3A_301 : i32 to index
      %parallel_loop3A_424 = arith.constant 80 : index
      %parallel_loop3A_425 = tpu.vector_load %arg7[%parallel_loop3A_422, %parallel_loop3A_423, %parallel_loop3A_424] {strides = array<i32>} : memref<3x128x128xf32, #tpu.memory_space<vmem>>, vector<1x1x16xf32>,
      %parallel_loop3A_426 = vector.shape_cast %parallel_loop3A_425 : vector<1x1x16xf32> to vector<16xf32>
      %parallel_loop3A_427 = arith.subf %parallel_loop3A_420, %parallel_loop3A_426 : vector<16xf32>
      %parallel_loop3A_428 = arith.mulf %parallel_loop3A_427, %parallel_loop3A_427 : vector<16xf32>
      %parallel_loop3A_429 = arith.constant 9.99999996E-13 : f32
      %parallel_loop3A_430 = vector.broadcast %parallel_loop3A_429 : f32 to vector<16xf32>
      %parallel_loop3A_431 = arith.maximumf %parallel_loop3A_428, %parallel_loop3A_430 : vector<16xf32>
      %parallel_loop3A_432 = arith.constant 9.99999995E+11 : f32
      %parallel_loop3A_433 = vector.broadcast %parallel_loop3A_432 : f32 to vector<16xf32>
      %parallel_loop3A_434 = arith.minimumf %parallel_loop3A_431, %parallel_loop3A_433 : vector<16xf32>
      %parallel_loop3A_435 = arith.addf %parallel_loop3A_307, %parallel_loop3A_434 : vector<16xf32>
      %parallel_loop3A_436 = arith.constant 0 : i32
      %parallel_loop3A_437 = arith.index_cast %parallel_loop3A_436 : i32 to index
      %parallel_loop3A_438 = arith.index_cast %parallel_loop3A_301 : i32 to index
      %parallel_loop3A_439 = arith.constant 96 : index
      %parallel_loop3A_440 = tpu.vector_load %arg8[%parallel_loop3A_437, %parallel_loop3A_438, %parallel_loop3A_439] {strides = array<i32>} : memref<3x128x128xf32, #tpu.memory_space<vmem>>, vector<1x1x16xf32>,
      %parallel_loop3A_441 = vector.shape_cast %parallel_loop3A_440 : vector<1x1x16xf32> to vector<16xf32>
      %parallel_loop3A_442 = arith.constant 0 : i32
      %parallel_loop3A_443 = arith.index_cast %parallel_loop3A_442 : i32 to index
      %parallel_loop3A_444 = arith.index_cast %parallel_loop3A_301 : i32 to index
      %parallel_loop3A_445 = arith.constant 96 : index
      %parallel_loop3A_446 = tpu.vector_load %arg7[%parallel_loop3A_443, %parallel_loop3A_444, %parallel_loop3A_445] {strides = array<i32>} : memref<3x128x128xf32, #tpu.memory_space<vmem>>, vector<1x1x16xf32>,
      %parallel_loop3A_447 = vector.shape_cast %parallel_loop3A_446 : vector<1x1x16xf32> to vector<16xf32>
      %parallel_loop3A_448 = arith.subf %parallel_loop3A_441, %parallel_loop3A_447 : vector<16xf32>
      %parallel_loop3A_449 = arith.mulf %parallel_loop3A_448, %parallel_loop3A_448 : vector<16xf32>
      %parallel_loop3A_450 = arith.constant 9.99999996E-13 : f32
      %parallel_loop3A_451 = vector.broadcast %parallel_loop3A_450 : f32 to vector<16xf32>
      %parallel_loop3A_452 = arith.maximumf %parallel_loop3A_449, %parallel_loop3A_451 : vector<16xf32>
      %parallel_loop3A_453 = arith.constant 9.99999995E+11 : f32
      %parallel_loop3A_454 = vector.broadcast %parallel_loop3A_453 : f32 to vector<16xf32>
      %parallel_loop3A_455 = arith.minimumf %parallel_loop3A_452, %parallel_loop3A_454 : vector<16xf32>
      %parallel_loop3A_456 = arith.addf %parallel_loop3A_308, %parallel_loop3A_455 : vector<16xf32>
      %parallel_loop3A_457 = arith.constant 0 : i32
      %parallel_loop3A_458 = arith.index_cast %parallel_loop3A_457 : i32 to index
      %parallel_loop3A_459 = arith.index_cast %parallel_loop3A_301 : i32 to index
      %parallel_loop3A_460 = arith.constant 112 : index
      %parallel_loop3A_461 = tpu.vector_load %arg8[%parallel_loop3A_458, %parallel_loop3A_459, %parallel_loop3A_460] {strides = array<i32>} : memref<3x128x128xf32, #tpu.memory_space<vmem>>, vector<1x1x16xf32>,
      %parallel_loop3A_462 = vector.shape_cast %parallel_loop3A_461 : vector<1x1x16xf32> to vector<16xf32>
      %parallel_loop3A_463 = arith.constant 0 : i32
      %parallel_loop3A_464 = arith.index_cast %parallel_loop3A_463 : i32 to index
      %parallel_loop3A_465 = arith.index_cast %parallel_loop3A_301 : i32 to index
      %parallel_loop3A_466 = arith.constant 112 : index
      %parallel_loop3A_467 = tpu.vector_load %arg7[%parallel_loop3A_464, %parallel_loop3A_465, %parallel_loop3A_466] {strides = array<i32>} : memref<3x128x128xf32, #tpu.memory_space<vmem>>, vector<1x1x16xf32>,
      %parallel_loop3A_468 = vector.shape_cast %parallel_loop3A_467 : vector<1x1x16xf32> to vector<16xf32>
      %parallel_loop3A_469 = arith.subf %parallel_loop3A_462, %parallel_loop3A_468 : vector<16xf32>
      %parallel_loop3A_470 = arith.mulf %parallel_loop3A_469, %parallel_loop3A_469 : vector<16xf32>
      %parallel_loop3A_471 = arith.constant 9.99999996E-13 : f32
      %parallel_loop3A_472 = vector.broadcast %parallel_loop3A_471 : f32 to vector<16xf32>
      %parallel_loop3A_473 = arith.maximumf %parallel_loop3A_470, %parallel_loop3A_472 : vector<16xf32>
      %parallel_loop3A_474 = arith.constant 9.99999995E+11 : f32
      %parallel_loop3A_475 = vector.broadcast %parallel_loop3A_474 : f32 to vector<16xf32>
      %parallel_loop3A_476 = arith.minimumf %parallel_loop3A_473, %parallel_loop3A_475 : vector<16xf32>
      %parallel_loop3A_477 = arith.addf %parallel_loop3A_309, %parallel_loop3A_476 : vector<16xf32>
      scf.yield %parallel_loop3A_330, %parallel_loop3A_351, %parallel_loop3A_372, %parallel_loop3A_393, %parallel_loop3A_414, %parallel_loop3A_435, %parallel_loop3A_456, %parallel_loop3A_477 : vector<16xf32>, vector<16xf32>, vector<16xf32>, vector<16xf32>, vector<16xf32>, vector<16xf32>, vector<16xf32>, vector<16xf32>
    } {sc.loop_unroll_factor = 4 : i64, sc.parallel_access}
    %add3A_287 = arith.addf %parallel_loop3A_286#0, %parallel_loop3A_286#1 : vector<16xf32>
    %add3A_288 = arith.addf %add3A_287, %parallel_loop3A_286#2 : vector<16xf32>
    %add3A_289 = arith.addf %add3A_288, %parallel_loop3A_286#3 : vector<16xf32>
    %add3A_290 = arith.addf %add3A_289, %parallel_loop3A_286#4 : vector<16xf32>
    %add3A_291 = arith.addf %add3A_290, %parallel_loop3A_286#5 : vector<16xf32>
    %add3A_292 = arith.addf %add3A_291, %parallel_loop3A_286#6 : vector<16xf32>
    %add3A_293 = arith.addf %add3A_292, %parallel_loop3A_286#7 : vector<16xf32>
    %add3A_294 = arith.addf %add3A_250, %add3A_293 : vector<16xf32>
    %mul3A_295 = arith.constant 6.10351563E-5 : f32
    %mul3A_296 = vector.broadcast %mul3A_295 : f32 to vector<16xf32>
    %mul3A_297 = arith.mulf %add3A_294, %mul3A_296 : vector<16xf32>
    %swap3A = arith.constant 0 : index
    %swap3A_298 = tpu.vector_load %arg9[%swap3A] {strides = array<i32>} : memref<16xf32, #tpu.memory_space<vmem>>, vector<16xf32>,
    %swap3A_299 = vector.shape_cast %swap3A_298 : vector<16xf32> to vector<16xf32>
    %swap3A_300 = vector.shape_cast %mul3A_297 : vector<16xf32> to vector<16xf32>
    tpu.vector_store %arg9[%swap3A], %swap3A_300 {strides = array<i32>} : memref<16xf32, #tpu.memory_space<vmem>>, vector<16xf32>,
    "tpu.region"() ({
      %run_scoped3A = tpu.sem_alloc : memref<!tpu.dma_semaphore, #tpu.memory_space<semaphore_mem>>
      %dma_start3A_301 = arith.constant 0 : i32
      %dma_start3A_302 = tpu.memref_slice %arg5[%add3A, %dma_start3A_301] : memref<32x16xf32, #tpu.memory_space<hbm>> -> memref<1x16xf32, #tpu.memory_space<hbm>>
      %dma_start3A_303 = tpu.memref_squeeze %dma_start3A_302 : memref<1x16xf32, #tpu.memory_space<hbm>> -> memref<16xf32, #tpu.memory_space<hbm>>
      %dma_start3A_304 = arith.constant 0 : i32
      %dma_start3A_305 = tpu.memref_slice %arg5[%add3A, %dma_start3A_304] : memref<32x16xf32, #tpu.memory_space<hbm>> -> memref<1x16xf32, #tpu.memory_space<hbm>>
      %dma_start3A_306 = tpu.memref_squeeze %dma_start3A_305 : memref<1x16xf32, #tpu.memory_space<hbm>> -> memref<16xf32, #tpu.memory_space<hbm>>
      tpu.enqueue_dma source(%arg9 : memref<16xf32, #tpu.memory_space<vmem>>) target(%dma_start3A_306 : memref<16xf32, #tpu.memory_space<hbm>>) target_semaphore(%run_scoped3A : memref<!tpu.dma_semaphore, #tpu.memory_space<semaphore_mem>>)
      %dma_wait3A_307 = arith.constant 0 : i32
      %dma_wait3A_308 = tpu.memref_slice %arg5[%add3A, %dma_wait3A_307] : memref<32x16xf32, #tpu.memory_space<hbm>> -> memref<1x16xf32, #tpu.memory_space<hbm>>
      %dma_wait3A_309 = tpu.memref_squeeze %dma_wait3A_308 : memref<1x16xf32, #tpu.memory_space<hbm>> -> memref<16xf32, #tpu.memory_space<hbm>>
      %dma_wait3A_310 = arith.constant 0 : i32
      %dma_wait3A_311 = tpu.memref_slice %arg5[%add3A, %dma_wait3A_310] : memref<32x16xf32, #tpu.memory_space<hbm>> -> memref<1x16xf32, #tpu.memory_space<hbm>>
      %dma_wait3A_312 = tpu.memref_squeeze %dma_wait3A_311 : memref<1x16xf32, #tpu.memory_space<hbm>> -> memref<16xf32, #tpu.memory_space<hbm>>
      tpu.wait_dma2 semaphore(%run_scoped3A : memref<!tpu.dma_semaphore, #tpu.memory_space<semaphore_mem>>) src(%arg9 : memref<16xf32, #tpu.memory_space<vmem>>) dst(%dma_wait3A_312 : memref<16xf32, #tpu.memory_space<hbm>>)
      tpu.yield
    }) : () -> ()
    return
  }
}

</mosaic_0001>

<sc_bundles>
// kernel: kernel.3.cloned.1.call-start
scs
__scs_entry_jumppad:
0x0: {  	(pc) =	sbr.rel $0x88, $3  }
0x1: {  	(tag) =	ssettag $0x0;
	lr =	simm.s32 $0x1  }
0x2: {  	[smem:$0x3F9E] =	sst lr;
	_ =	strace $0xD0000000  }
0x3: {  	_ = 	snop  }
0x4: {  	_ = 	snop  }
0x5: {  	_ = 	snop  }
0x6: {  	_ = 	snop  }
0x7: {  	_ = 	snop  }
__scs_overlays_trampoline_lowered:
0x8: {  	[smem:$0x3FAD] =	sst s0  }
0x9: {  	[smem:$0x3FAE] =	sst s1  }
0xa: {  	[smem:$0x3FAF] =	sst s2  }
0xb: {  	[smem:$0x3FB0] =	sst s3  }
0xc: {  	[smem:$0x3FB1] =	sst s4  }
0xd: {  	[smem:$0x3FB2] =	sst s5  }
0xe: {  	[smem:$0x3FB3] =	sst s6  }
0xf: {  	[smem:$0x3FB4] =	sst s7  }
0x10: {  	[smem:$0x3FB5] =	sst s8  }
0x11: {  	[smem:$0x3FB6] =	sst s9;
	s0 =	simm.s32 @!p0 $0x0  }
0x12: {  	s1 =	sld [smem:$0x3F9C];
	s0 =	simm.s32 @p0 $0x1  }
0x13: {  	[smem:$0x3FB7] =	sst s0;
	s0 =	simm.s32 @!p1 $0x0  }
0x14: {  	s2 =	sld [smem:$0x3F9B];
	s0 =	simm.s32 @p1 $0x1  }
0x15: {  	[smem:$0x3FB8] =	sst s0;
	s0 =	simm.s32 @!p2 $0x0  }
0x16: {  	s3 =	sld [smem:$0x3FDB];
	s0 =	simm.s32 @p2 $0x1  }
0x17: {  	s4 =	simm.s32 $0x1BF5;
	[smem:$0x3FBA] =	sst s0  }
0x18: {  	s0 =	sld [smem:$0x3F9D];
	_ =	swait.ge [sflag:s4], $0x0  }
0x19: {  	s7 =	sld [smem:$0x3F9E]  }
0x1a: {  	s8 =	sadd.s32 $0xFFFFE003, lr  }
0x1b: {  	s9 =	sadd.s32 $0xFFFFFEF7, lr;
	s5 =	simm.s32 $0xFFFFFFFF;
	p2 =	slt.u32 s8, $0xFFFFF086  }
0x1c: {  	p1 =	slt.u32 s9, $0xF7A;
	s5 =	simm.s32 @!p2 $0x0  }
0x1d: {  	s5 =	simm.s32 @p1 $0x1;
	p0 =	seq.s32 s7, s2  }
0x1e: {  	s7 =	smul.u32 @!p0 $0xF7A, s2;
	p2 =	seq.s32 @!p0 s5, $0x0  }
0x1f: {  	s9 =	smul.u32 $0xF7A, s1;
	s8 =	simm.s32 @!p0 $0x1BF5;
	p2 =	por !p2, p0  }
0x20: {  	[sflag:s8] =	ssyncset.s32 @!p0 $0xFFFFF086;
	s6 =	sadd.s32 @!p0 s3, s7;
	s7 =	simm.s32 @!p0 $0x108  }
0x21: {  	s3 =	sadd.s32 s3, s9;
	s6 =	sadd.s32 @!p0 $0x88, s6;
	s7 =	simm.s32 @p2 $0x1082  }
0x22: {  	[simem:s7], [sflag:s8] =	dma.local @!p0 [hbm:s6], $0xF7A  }
0x23: {  	s9 =	sor.u32 $0xD0000000, s2;
	s6 =	simm.s32 $0x108;
	_ =	swait.ge @!p0 [sflag:s8], $0x0  }
0x24: {  	s3 =	sadd.s32 $0x88, s3;
	s6 =	simm.s32 @!p1 $0x1082;
	[sflag:s4] =	ssyncset.s32 $0xFFFFF086  }
0x25: {  	[simem:s6], [sflag:s4] =	dma.local [hbm:s3], $0xF7A  }
0x26: {  	[smem:$0x3F9E] =	sst s1;
	(tag) =	ssettag s2;
	_ =	strace s9  }
0x27: {  	s1 =	sld [smem:$0x3FAE]  }
0x28: {  	s2 =	sld [smem:$0x3FAF]  }
0x29: {  	s4 =	sld [smem:$0x3FB1]  }
0x2a: {  	p0 =	seq.s32 s5, $0x0;
	s5 =	sld [smem:$0x3FB2]  }
0x2b: {  	s6 =	sld [smem:$0x3FB3]  }
0x2c: {  	s7 =	sld [smem:$0x3FB4]  }
0x2d: {  	s3 =	simm.s32 $0x108;
	s8 =	sld [smem:$0x3FB5]  }
0x2e: {  	s3 =	simm.s32 @!p0 $0x1082;
	s9 =	sld [smem:$0x3FB6]  }
0x2f: {  	lr =	sadd.s32 s0, s3;
	s0 =	sld [smem:$0x3FAD]  }
0x30: {  	s3 =	sld [smem:$0x3FB0]  }
0x31: {  	[smem:$0x3FB9] =	sst s10  }
0x32: {  	s10 =	sld [smem:$0x3FB7];
	_ =	sdelay $0x3  }
0x33: {  	p0 =	seq.s32 s10, $0x1;
	s10 =	sld [smem:$0x3FB9];
	_ =	sdelay $0x3  }
0x34: {  	[smem:$0x3FB9] =	sst s10  }
0x35: {  	s10 =	sld [smem:$0x3FB8];
	_ =	sdelay $0x3  }
0x36: {  	p1 =	seq.s32 s10, $0x1;
	s10 =	sld [smem:$0x3FB9];
	_ =	sdelay $0x3  }
0x37: {  	[smem:$0x3FB9] =	sst s10  }
0x38: {  	s10 =	sld [smem:$0x3FBA]  }
0x39: {  	_ = 	snop;
	(pc) =	sbr.ind lr, $3  }
0x3a: {  	_ = 	snop  }
0x3b: {  	_ = 	snop  }
0x3c: {  	p2 =	seq.s32 s10, $0x1;
	s10 =	sld [smem:$0x3FB9]  }
0x3d: {  	_ =	shalt  }
0x3e: {  	_ =	shalt  }
0x3f: {  	_ =	shalt  }
0x40: {  	_ =	shalt  }
0x41: {  	_ =	shalt  }
0x42: {  	_ =	shalt  }
0x43: {  	_ =	shalt  }
0x44: {  	_ =	shalt  }
0x45: {  	_ =	shalt  }
0x46: {  	_ =	shalt  }
0x47: {  	_ =	shalt  }
0x48: {  	_ =	shalt  }
0x49: {  	_ =	shalt  }
0x4a: {  	_ =	shalt  }
0x4b: {  	_ =	shalt  }
0x4c: {  	_ =	shalt  }
0x4d: {  	_ =	shalt  }
0x4e: {  	_ =	shalt  }
0x4f: {  	_ =	shalt  }
0x50: {  	_ =	shalt  }
0x51: {  	_ =	shalt  }
0x52: {  	_ =	shalt  }
0x53: {  	_ =	shalt  }
0x54: {  	_ =	shalt  }
0x55: {  	_ =	shalt  }
0x56: {  	_ =	shalt  }
0x57: {  	_ =	shalt  }
0x58: {  	_ =	shalt  }
0x59: {  	_ =	shalt  }
0x5a: {  	_ =	shalt  }
0x5b: {  	_ =	shalt  }
0x5c: {  	_ =	shalt  }
0x5d: {  	_ =	shalt  }
0x5e: {  	_ =	shalt  }
0x5f: {  	_ =	shalt  }
0x60: {  	_ =	shalt  }
0x61: {  	_ =	shalt  }
0x62: {  	_ =	shalt  }
0x63: {  	_ =	shalt  }
0x64: {  	_ =	shalt  }
0x65: {  	_ =	shalt  }
0x66: {  	_ =	shalt  }
0x67: {  	_ =	shalt  }
0x68: {  	_ =	shalt  }
0x69: {  	_ =	shalt  }
0x6a: {  	_ =	shalt  }
0x6b: {  	_ =	shalt  }
0x6c: {  	_ =	shalt  }
0x6d: {  	_ =	shalt  }
0x6e: {  	_ =	shalt  }
0x6f: {  	_ =	shalt  }
0x70: {  	_ =	shalt  }
0x71: {  	_ =	shalt  }
0x72: {  	_ =	shalt  }
0x73: {  	_ =	shalt  }
0x74: {  	_ =	shalt  }
0x75: {  	_ =	shalt  }
0x76: {  	_ =	shalt  }
0x77: {  	_ =	shalt  }
0x78: {  	_ =	shalt  }
0x79: {  	_ =	shalt  }
0x7a: {  	_ =	shalt  }
0x7b: {  	_ =	shalt  }
0x7c: {  	_ =	shalt  }
0x7d: {  	_ =	shalt  }
0x7e: {  	_ =	shalt  }
0x7f: {  	_ =	shalt  }
0x80: {  	_ =	shalt  }
0x81: {  	_ =	shalt  }
0x82: {  	_ =	shalt  }
0x83: {  	_ =	shalt  }
0x84: {  	_ =	shalt  }
0x85: {  	_ =	shalt  }
0x86: {  	_ =	shalt  }
0x87: {  	_ =	shalt  }
.Lfunc_end0:
.L_simem_size_0:
called_computation_lowered:
.L_overlay_start_0:
0x88: {  	s2 =	sld [smem:$0x3FD9]  }
0x89: {  	s3 =	sld [smem:$0x3FFE];
	_ =	sdelay $0x1  }
0x8a: {  	s1 =	srdreg.scid  }
0x8b: {  	s0 =	sand.u32 $0x1, s1  }
0x8c: {  	s17 =	sshll.u32 s0, $0xA;
	s2 =	sadd.s32 s3, s2  }
0x8d: {  	s2 =	sadd.s32 s2, s17  }
0x8e: {  	[smem:$0x3FC5] =	sst s2  }
0x8f: {  	_ = 	snop  }
0x90: {  	s2 =	sld [smem:$0x3FC9]  }
0x91: {  	s18 =	sld [smem:$0x3FC8]  }
0x92: {  	s4 =	sld [smem:$0x3FC7];
	(tm) =	ssettm $0x1  }
0x93: {  	s5 =	sld [smem:$0x3FFB];
	_ =	sdelay $0x3  }
0x94: {  	_ =	strace s5  }
0x95: {  	s5 =	sld [smem:$0x3FFC];
	_ =	sdelay $0x3  }
0x96: {  	_ =	strace s5  }
0x97: {  	s5 =	sld [smem:$0x3FFD];
	_ =	sdelay $0x3  }
0x98: {  	_ =	strace s5  }
0x99: {  	_ =	strace $0x8FFFFFFF  }
0x9a: {  	s19 =	sld [smem:$0x3FDB];
	_ =	sdelay $0x1  }
0x9b: {  	s6 =	simm.s32 $_scs_section_size  }
0x9c: {  	s7 =	simm.s32 $_size__tile_overlayer_lowered;
	s8 =	simm.s32 $_tile_overlayer_lowered  }
0x9d: {  	s22 =	simm.s32 $0x1BFF;
	s21 =	sshll.u32 s8, $0x1;
	s5 =	sadd.s32 s6, s19  }
0x9e: {  	s9 =	simm.s32 $0x0;
	s20 =	sshll.u32 s7, $0x1;
	s7 =	sadd.s32 s21, s5  }
0x9f: {  	[timem:s9], [sflag:s22] =	dma.local [hbm:s7], s20  }
0xa0: {  	_ =	swait.ge [sflag:s22], s20  }
0xa1: {  	s6 =	ssub.s32 $0x0, s20;
	[sflag:s22] =	ssyncset.done $0x0  }
0xa2: {  	[sflag:s22] =	ssyncadd.s32 s6;
	_ =	sdelay $0x1  }
0xa3: {  	s23 =	simm.s32 $0x1B8B  }
0xa4: {  	_ =	swait.ge [sflag:s23], $0x1  }
0xa5: {  	[sflag:s23] =	ssyncset.done $0x0  }
0xa6: {  	s25 =	simm.s32 $0x1B8E;
	s24 =	sld [smem:$0x3FFE];
	[sflag:s23] =	ssyncadd.s32 $0xFFFFFFFF  }
0xa7: {  	s26 =	simm.s32 $execute0_lowered;
	[smem:$0x3FD2] =	sst s25  }
0xa8: {  	s7 =	sshll.u32 s26, $0x1;
	_ =	strace $0x80000046;
	[dreg:$0x1] =	wrdreg $0xFFFFFFFF  }
0xa9: {  	s28 =	simm.s32 $_size_execute0_lowered;
	s5 =	sadd.s32 s5, s7;
	[dreg:$0x0] =	wrdreg $0x0  }
0xaa: {  	s7 =	sshll.u32 s28, $0x1;
	[dreg:$0x2] =	wrdreg s5  }
0xab: {  	[dreg:$0x3] =	wrdreg s7  }
0xac: {  	[dreg:$0x4] =	wrdreg $0xC0  }
0xad: {  	_ =	task [dreg:s9], $0x5FFFF  }
0xae: {  	[dreg:$0x1] =	wrdreg $0xFFFFFFFF  }
0xaf: {  	[dreg:$0x0] =	wrdreg $0x60  }
0xb0: {  	[dreg:$0x2] =	wrdreg s2  }
0xb1: {  	[dreg:$0x3] =	wrdreg s18  }
0xb2: {  	[dreg:$0x4] =	wrdreg s4  }
0xb3: {  	[dreg:$0x5] =	wrdreg s24  }
0xb4: {  	[dreg:$0x6] =	wrdreg $0x9  }
0xb5: {  	_ =	task.clear_ibuf [dreg:s9], $0x7FFFF;
	_ =	strace $0x90000046  }
0xb6: {  	s29 =	simm.s32 $0x9;
	_ =	strace $0x80000048  }
0xb7: {  	_ =	swait.ge [sflag:s29], $0x1  }
0xb8: {  	[sflag:s29] =	ssyncadd.s32 $0xFFFFFFFF  }
0xb9: {  	_ =	strace $0x90000048  }
0xba: {  	_ =	sfence  }
0xbb: {  	s30 =	sld [smem:$0x0];
	_ =	sdelay $0x2  }
0xbc: {  	s31 =	sshll.u32 s1, $0xD;
	s1 =	sshrl.u32 s1, $0x2  }
0xbd: {  	s3 =	sand.u32 $0x4000, s31;
	s1 =	sadd.s32 s1, s30  }
0xbe: {  	s0 =	sor.u32 s3, s0;
	s1 =	sshll.u32 s1, $0x11  }
0xbf: {  	s0 =	sor.u32 s1, s0  }
0xc0: {  	s0 =	sadd.s32 $0x8F2B, s0  }
0xc1: {  	[sflag:s0] =	ssyncadd.remote.s32 $0x1  }
0xc2: {  	_ =	sfence.sel $0xFFFF  }
0xc3: {  	[dreg:$0x0] =	wrdreg $0xFFFFFFFF;
	(pc) =	sbr.abs _section_cstart, $3  }
0xc4: {  	[dreg:$0x1] =	wrdreg $0xFFFFFFFF  }
0xc5: {  	_ =	task.clear_ibuf [dreg:s9], $0x2FFFF;
	_ =	strace $0x9FFFFFFF  }
0xc6: {  	(tm) =	ssettm $0x7FFFFFFF  }
0xc7: {  	_ =	shalt  }
tec
execute0_lowered:
.L_overlay_start_1:
0x0: {  	(tag) =	ssettag $0x1  }
0x1: {  	s5 =	rddreg [dreg:$0x0]  }
0x2: {  	s4 =	rddreg [dreg:$0x1]  }
0x3: {  	s1 =	rddreg [dreg:$0x2]  }
0x4: {  	s9 =	rddreg [dreg:$0x3]  }
0x5: {  	s0 =	rddreg [dreg:$0x4]  }
0x6: {  	s3 =	simm.s32 $0x0;
	s6 =	srdreg.scid;
	s2 =	stileid.u32  }
0x7: {  	s13 =	simm.s32 $0x200;
	s14 =	simm.s32 $0xC200;
	s15 =	simm.s32 $0x4200  }
0x8: {  	s16 =	simm.s32 $0x10200;
	s17 =	simm.s32 $0x100;
	s18 =	simm.s32 $0x8200  }
0x9: {  	s19 =	simm.s32 $0x14200;
	s20 =	simm.s32 $0x1;
	s21 =	simm.s32 $0x4  }
0xa: {  	s22 =	simm.s32 $0x180;
	s23 =	simm.s32 $0x2;
	s24 =	simm.s32 $0x5  }
0xb: {  	s25 =	simm.s32 $0x3;
	s26 =	simm.s32 $0x6;
	s28 =	simm.s32 $0x18200  }
0xc: {  	s29 =	simm.s32 $0x0;
	s6 =	sand.u32 $0x1, s6;
	s7 =	sshll.u32 s2, $0x1  }
0xd: {  	[smem:$0x7FF] =	sst s3;
	s8 =	ssub.s32 $0x2, s6;
	s10 =	sor.u32 s6, s7  }
0xe: {  	_ =	strace $0x80000047;
	s31 =	sshrl.u32 s8, $0x1;
	s7 =	sshll.u32 s10, $0x6  }
0xf: {  	s11 =	sshll.u32 s10, $0xD;
	s10 =	sshll.u32 s10, $0x4;
	s12 =	ssub.s32 s8, s31  }
0x10: {  	s4 =	sadd.s32 s4, s7;
	s5 =	sadd.s32 s5, s11;
	s9 =	sadd.s32 s9, s10  }
0x11: {  	s11 =	simm.s32 $0x7;
	s6 =	sadd.s32 $0x800, s5;
	s7 =	sadd.s32 $0x1000, s5  }
0x12: {  	s8 =	sadd.s32 $0x1800, s5;
	s10 =	smax.u32 s12, $0x1;
	s12 =	simm.s32 $0x80  }
.LBB2_1:
0x13: {  	[tilespmem:s3], [sflag:$0x7] =	stream.linear.gather [hbm4b:s4+s3], $0x200, $0x38;
	[tilespmem:$0x18280] =	vst v63  }
0x14: {  	_ =	swait.ge [sflag:s11], $0x200  }
0x15: {  	[sflag:s11] =	ssyncset.done $0x0  }
0x16: {  	[sflag:s11] =	ssyncadd.s32 $0xFFFFFE00  }
0x17: {  	[tilespmem:s13], [sflag:$0x1] =	stream.indirect.gather [hbm4b:s1+s12], $0x80, s3, s12, $0xb8;
	[tilespmem:$0x18280] =	vst v63  }
0x18: {  	_ = 	snop  }
0x19: {  	[tilespmem:s14], [sflag:$0x4] =	stream.linear.gather [hbm4b:s5+s3], $0x4000, $0x38;
	[tilespmem:$0x18280] =	vst v63  }
0x1a: {  	_ = 	snop  }
0x1b: {  	[tilespmem:s15], [sflag:$0x2] =	stream.indirect.gather [hbm4b:s1+s12], $0x80, s12, s12, $0xb8;
	[tilespmem:$0x18280] =	vst v63  }
0x1c: {  	_ = 	snop  }
0x1d: {  	[tilespmem:s16], [sflag:$0x5] =	stream.linear.gather [hbm4b:s6+s3], $0x4000, $0x38;
	[tilespmem:$0x18280] =	vst v63  }
0x1e: {  	_ = 	snop  }
0x1f: {  	[tilespmem:s18], [sflag:$0x3] =	stream.indirect.gather [hbm4b:s1+s12], $0x80, s17, s12, $0xb8;
	[tilespmem:$0x18280] =	vst v63  }
0x20: {  	_ = 	snop  }
0x21: {  	[tilespmem:s19], [sflag:$0x6] =	stream.linear.gather [hbm4b:s7+s3], $0x4000, $0x38;
	[tilespmem:$0x18280] =	vst v63  }
0x22: {  	_ =	swait.ge [sflag:s20], $0x4000  }
0x23: {  	[sflag:s20] =	ssyncset.done $0x0  }
0x24: {  	[sflag:s20] =	ssyncadd.s32 $0xFFFFC000  }
0x25: {  	_ =	swait.ge [sflag:s21], $0x4000  }
0x26: {  	[sflag:s21] =	ssyncset.done $0x0  }
0x27: {  	s31 =	simm.s32 $0x0;
	[sflag:s21] =	ssyncadd.s32 $0xFFFFC000  }
0x28: {  	v0 =	vld [tilespmem:s31+$0xC270]  }
0x29: {  	v1 =	vld [tilespmem:s31+$0x270]  }
0x2a: {  	v2 =	vld [tilespmem:s31+$0xC200]  }
0x2b: {  	v3 =	vld [tilespmem:s31+$0x200]  }
0x2c: {  	v4 =	vld [tilespmem:s31+$0xC210]  }
0x2d: {  	v5 =	vld [tilespmem:s31+$0x210]  }
0x2e: {  	v6 =	vld [tilespmem:s31+$0xC220]  }
0x2f: {  	v7 =	vld [tilespmem:s31+$0x220];
	_ =	sdelay $0x2  }
0x30: {  	v10 =	vld [tilespmem:s31+$0x240]  }
0x31: {  	v0 =	vsub.f32 v0, v1;
	v1 =	vld [tilespmem:s31+$0xC230];
	v2 =	vsub.f32 v2, v3  }
0x32: {  	v3 =	vld [tilespmem:s31+$0x230];
	v4 =	vsub.f32 v4, v5;
	v6 =	vsub.f32 v6, v7  }
0x33: {  	v5 =	vld [tilespmem:s31+$0xC240];
	v0 =	vmul.f32 v0, v0;
	v2 =	vmul.f32 v2, v2  }
0x34: {  	v9 =	vmul.f32 v4, v4;
	v6 =	vmul.f32 v6, v6  }
0x35: {  	v4 =	vimm.f32 $0.0e+00;
	v0 =	vmax.f32 v0, $9.999999960e-13;
	v2 =	vmax.f32 v2, $9.999999960e-13  }
0x36: {  	v8 =	vld [tilespmem:s31+$0xC250];
	v7 =	vmax.f32 v9, $9.999999960e-13;
	v14 =	vmax.f32 v6, $9.999999960e-13;
	v6 =	vimm.f32 $0.0e+00  }
0x37: {  	v11 =	vld [tilespmem:s31+$0x250];
	v0 =	vmin.f32 v0, $9.999999950e+11;
	v1 =	vsub.f32 v1, v3;
	v15 =	vmin.f32 v2, $9.999999950e+11  }
0x38: {  	v12 =	vld [tilespmem:s31+$0x260];
	v13 =	vmin.f32 v7, $9.999999950e+11;
	v17 =	vsub.f32 v5, v10;
	v7 =	vimm.f32 $0.0e+00  }
0x39: {  	s30 =	simm.s32 $0x80;
	v9 =	vld [tilespmem:s31+$0xC260];
	v3 =	vimm.f32 $0.0e+00;
	v5 =	vimm.f32 $0.0e+00;
	v2 =	vimm.f32 $0.0e+00  }
0x3a: {  	s31 =	simm.s32 $0x400;
	v10 =	vld [tilespmem:s30+$0xC270];
	v0 =	vadd.f32 v0, v4;
	v16 =	vmul.f32 v1, v1;
	v1 =	vimm.f32 $0.0e+00  }
.LBB2_2:
0x3b: {  	p0 =	sne.s32 s31, $0xFE00;
	v18 =	vld [tilespmem:s30+$0x270];
	v4 =	vadd.f32 v15, v4;
	v7 =	vadd.f32 v13, v7;
	v13 =	vmin.f32 v14, $9.999999950e+11  }
0x3c: {  	v14 =	vld [tilespmem:s30+$0xC200];
	v15 =	vmax.f32 v16, $9.999999960e-13;
	v16 =	vmul.f32 v17, v17;
	v8 =	vsub.f32 v8, v11  }
0x3d: {  	v6 =	vadd.f32 v13, v6;
	v11 =	vld [tilespmem:s30+$0x200];
	v13 =	vmin.f32 v15, $9.999999950e+11  }
0x3e: {  	v15 =	vld [tilespmem:s30+$0xC210];
	v16 =	vmax.f32 v16, $9.999999960e-13;
	v8 =	vmul.f32 v8, v8;
	v9 =	vsub.f32 v9, v12  }
0x3f: {  	v3 =	vadd.f32 v13, v3;
	v12 =	vld [tilespmem:s30+$0x210];
	v13 =	vmin.f32 v16, $9.999999950e+11  }
0x40: {  	v16 =	vld [tilespmem:s30+$0xC220];
	v10 =	vsub.f32 v10, v18;
	v8 =	vmax.f32 v8, $9.999999960e-13;
	v9 =	vmul.f32 v9, v9  }
0x41: {  	v5 =	vadd.f32 v13, v5;
	v17 =	vld [tilespmem:s30+$0x220];
	v8 =	vmin.f32 v8, $9.999999950e+11  }
0x42: {  	v11 =	vsub.f32 v14, v11;
	v13 =	vld [tilespmem:s30+$0xC230];
	v10 =	vmul.f32 v10, v10;
	v9 =	vmax.f32 v9, $9.999999960e-13  }
0x43: {  	v2 =	vadd.f32 v8, v2;
	v14 =	vld [tilespmem:s30+$0x230];
	v8 =	vmin.f32 v9, $9.999999950e+11  }
0x44: {  	v9 =	vmul.f32 v11, v11;
	v11 =	vsub.f32 v15, v12;
	v18 =	vld [tilespmem:s30+$0xC240];
	v10 =	vmax.f32 v10, $9.999999960e-13  }
0x45: {  	v1 =	vadd.f32 v8, v1;
	v19 =	vld [tilespmem:s30+$0x240];
	v10 =	vmin.f32 v10, $9.999999950e+11  }
.Ltmp0:
0x46: {  	v12 =	vmul.f32 v11, v11;
	v15 =	vsub.f32 v16, v17;
	v8 =	vld [tilespmem:s30+$0xC250];
	v0 =	vadd.f32 v10, v0;
	(pc) =	sbr.rel @p0 .LBB2_2-.Ltmp0, $4  }
0x47: {  	v10 =	vmax.f32 v9, $9.999999960e-13;
	v11 =	vld [tilespmem:s30+$0x250]  }
0x48: {  	v12 =	vmax.f32 v12, $9.999999960e-13;
	v16 =	vmul.f32 v15, v15;
	v17 =	vsub.f32 v13, v14;
	v9 =	vld [tilespmem:s30+$0xC260]  }
0x49: {  	v15 =	vmin.f32 v10, $9.999999950e+11;
	v13 =	vmin.f32 v12, $9.999999950e+11;
	v12 =	vld [tilespmem:s30+$0x260];
	s30 =	sshra.s32 s31, $0x2  }
0x4a: {  	s31 =	sadd.s32 $0x200, s31;
	v10 =	vld [tilespmem:s30+$0xC270];
	v14 =	vmax.f32 v16, $9.999999960e-13;
	v16 =	vmul.f32 v17, v17;
	v17 =	vsub.f32 v18, v19  }
0x4b: {  	v18 =	vld [tilespmem:s30+$0x270]  }
0x4c: {  	v19 =	vld [tilespmem:s30+$0xC200]  }
0x4d: {  	v20 =	vld [tilespmem:s30+$0x200]  }
0x4e: {  	v21 =	vld [tilespmem:s30+$0xC210]  }
0x4f: {  	v22 =	vld [tilespmem:s30+$0x210]  }
0x50: {  	v23 =	vld [tilespmem:s30+$0xC220]  }
0x51: {  	v24 =	vld [tilespmem:s30+$0x220]  }
0x52: {  	v25 =	vld [tilespmem:s30+$0xC230]  }
0x53: {  	v26 =	vld [tilespmem:s30+$0x230]  }
0x54: {  	v27 =	vld [tilespmem:s30+$0xC240]  }
0x55: {  	v28 =	vld [tilespmem:s30+$0x240]  }
0x56: {  	v29 =	vld [tilespmem:s30+$0xC250]  }
0x57: {  	v30 =	vld [tilespmem:s30+$0x250];
	v7 =	vadd.f32 v13, v7;
	v8 =	vsub.f32 v8, v11;
	v13 =	vmul.f32 v17, v17  }
0x58: {  	v4 =	vadd.f32 v15, v4;
	v15 =	vld [tilespmem:s30+$0xC260];
	v14 =	vmin.f32 v14, $9.999999950e+11;
	v9 =	vsub.f32 v9, v12  }
0x59: {  	v11 =	vld [tilespmem:s30+$0x260];
	[tilespmem:s13], [sflag:$0x1] =	stream.indirect.gather [hbm4b:s1+s12], $0x80, s22, s12, $0xb8;
	v12 =	vmax.f32 v16, $9.999999960e-13;
	v8 =	vmul.f32 v8, v8;
	v13 =	vmax.f32 v13, $9.999999960e-13  }
0x5a: {  	s30 =	simm.s32 $0x0;
	v6 =	vadd.f32 v14, v6;
	v12 =	vmin.f32 v12, $9.999999950e+11;
	v13 =	vmin.f32 v13, $9.999999950e+11  }
0x5b: {  	[tilespmem:s14], [sflag:$0x4] =	stream.linear.gather [hbm4b:s8+s30], $0x4000, $0x38;
	v10 =	vsub.f32 v10, v18;
	v8 =	vmax.f32 v8, $9.999999960e-13;
	v9 =	vmul.f32 v9, v9;
	[tilespmem:$0x18280] =	vst v63  }
0x5c: {  	_ =	swait.ge [sflag:s23], $0x4000;
	v12 =	vadd.f32 v12, v3;
	v5 =	vadd.f32 v13, v5;
	v3 =	vmin.f32 v8, $9.999999950e+11  }
0x5d: {  	[sflag:s23] =	ssyncset.done $0x0;
	v8 =	vsub.f32 v19, v20;
	v10 =	vmul.f32 v10, v10;
	v9 =	vmax.f32 v9, $9.999999960e-13  }
0x5e: {  	[sflag:s23] =	ssyncadd.s32 $0xFFFFC000;
	v13 =	vadd.f32 v3, v2;
	v3 =	vsub.f32 v21, v22;
	v2 =	vmin.f32 v9, $9.999999950e+11  }
0x5f: {  	_ =	swait.ge [sflag:s24], $0x4000;
	v8 =	vmul.f32 v8, v8;
	v9 =	vmax.f32 v10, $9.999999960e-13;
	v10 =	vsub.f32 v23, v24  }
0x60: {  	[sflag:s24] =	ssyncset.done $0x0;
	v14 =	vadd.f32 v2, v1;
	v1 =	vmul.f32 v3, v3;
	v9 =	vmin.f32 v9, $9.999999950e+11  }
0x61: {  	s31 =	simm.s32 $0x0;
	[sflag:s24] =	ssyncadd.s32 $0xFFFFC000;
	v2 =	vmax.f32 v8, $9.999999960e-13;
	v0 =	vadd.f32 v9, v0  }
0x62: {  	v8 =	vld [tilespmem:s31+$0x10270];
	v3 =	vmul.f32 v10, v10;
	v1 =	vmax.f32 v1, $9.999999960e-13;
	v9 =	vsub.f32 v25, v26  }
0x63: {  	v17 =	vsub.f32 v27, v28;
	v2 =	vmin.f32 v2, $9.999999950e+11;
	v10 =	vld [tilespmem:s31+$0x4270];
	v16 =	vmin.f32 v1, $9.999999950e+11  }
0x64: {  	v18 =	vld [tilespmem:s31+$0x10200];
	v1 =	vadd.f32 v2, v4;
	v3 =	vmax.f32 v3, $9.999999960e-13;
	v9 =	vmul.f32 v9, v9  }
0x65: {  	v19 =	vld [tilespmem:s31+$0x10220];
	v2 =	vadd.f32 v16, v7;
	v16 =	vsub.f32 v29, v30;
	v3 =	vmin.f32 v3, $9.999999950e+11  }
0x66: {  	v4 =	vmul.f32 v17, v17;
	v7 =	vld [tilespmem:s31+$0x4200];
	v9 =	vmax.f32 v9, $9.999999960e-13;
	v3 =	vadd.f32 v3, v6  }
0x67: {  	v17 =	vld [tilespmem:s31+$0x10210];
	v6 =	vsub.f32 v15, v11;
	v16 =	vmul.f32 v16, v16;
	v9 =	vmin.f32 v9, $9.999999950e+11  }
0x68: {  	v11 =	vld [tilespmem:s31+$0x4210];
	v15 =	vmax.f32 v4, $9.999999960e-13;
	v8 =	vsub.f32 v8, v10;
	v4 =	vadd.f32 v9, v12  }
0x69: {  	v9 =	vmin.f32 v15, $9.999999950e+11;
	v6 =	vmul.f32 v6, v6;
	v12 =	vld [tilespmem:s31+$0x4220];
	v15 =	vmax.f32 v16, $9.999999960e-13  }
0x6a: {  	v5 =	vadd.f32 v9, v5;
	v9 =	vld [tilespmem:s31+$0x10230];
	v10 =	vmin.f32 v15, $9.999999950e+11  }
0x6b: {  	v15 =	vsub.f32 v18, v7;
	v18 =	vld [tilespmem:s31+$0x4230];
	v8 =	vmul.f32 v8, v8;
	v6 =	vmax.f32 v6, $9.999999960e-13  }
0x6c: {  	v20 =	vld [tilespmem:s31+$0x10240];
	v7 =	vadd.f32 v10, v13;
	v6 =	vmin.f32 v6, $9.999999950e+11  }
0x6d: {  	v13 =	vld [tilespmem:s31+$0x4240];
	v11 =	vsub.f32 v17, v11;
	v10 =	vmul.f32 v15, v15;
	v8 =	vmax.f32 v8, $9.999999960e-13  }
0x6e: {  	v15 =	vimm.f32 $0.0e+00;
	v6 =	vadd.f32 v6, v14;
	v8 =	vmin.f32 v8, $9.999999950e+11  }
0x6f: {  	v11 =	vmul.f32 v11, v11;
	v14 =	vsub.f32 v19, v12;
	v12 =	vimm.f32 $0.0e+00  }
0x70: {  	v16 =	vld [tilespmem:s31+$0x10250];
	v10 =	vmax.f32 v10, $9.999999960e-13;
	v9 =	vsub.f32 v9, v18;
	v8 =	vadd.f32 v8, v12  }
0x71: {  	v19 =	vld [tilespmem:s31+$0x4250];
	v23 =	vmin.f32 v10, $9.999999950e+11;
	v10 =	vimm.f32 $0.0e+00;
	v11 =	vmax.f32 v11, $9.999999960e-13  }
0x72: {  	v17 =	vld [tilespmem:s31+$0x10260];
	v14 =	vmul.f32 v14, v14;
	v24 =	vsub.f32 v20, v13;
	v13 =	vimm.f32 $0.0e+00  }
0x73: {  	s30 =	simm.s32 $0x80;
	v20 =	vld [tilespmem:s31+$0x4260];
	v21 =	vmin.f32 v11, $9.999999950e+11;
	v22 =	vmul.f32 v9, v9;
	v11 =	vimm.f32 $0.0e+00  }
0x74: {  	v18 =	vld [tilespmem:s30+$0x10270];
	s31 =	simm.s32 $0x400;
	v9 =	vimm.f32 $0.0e+00;
	v25 =	vmax.f32 v14, $9.999999960e-13;
	v14 =	vimm.f32 $0.0e+00  }
.LBB2_4:
0x75: {  	p0 =	sne.s32 s31, $0xFE00;
	v26 =	vld [tilespmem:s30+$0x4270];
	v12 =	vadd.f32 v23, v12;
	v15 =	vadd.f32 v21, v15;
	v21 =	vmin.f32 v25, $9.999999950e+11  }
0x76: {  	v23 =	vld [tilespmem:s30+$0x10200];
	v22 =	vmax.f32 v22, $9.999999960e-13;
	v24 =	vmul.f32 v24, v24;
	v16 =	vsub.f32 v16, v19  }
0x77: {  	v14 =	vadd.f32 v21, v14;
	v19 =	vld [tilespmem:s30+$0x4200];
	v21 =	vmin.f32 v22, $9.999999950e+11  }
0x78: {  	v22 =	vld [tilespmem:s30+$0x10210];
	v24 =	vmax.f32 v24, $9.999999960e-13;
	v16 =	vmul.f32 v16, v16;
	v17 =	vsub.f32 v17, v20  }
0x79: {  	v11 =	vadd.f32 v21, v11;
	v20 =	vld [tilespmem:s30+$0x4210];
	v21 =	vmin.f32 v24, $9.999999950e+11  }
0x7a: {  	v24 =	vld [tilespmem:s30+$0x10220];
	v18 =	vsub.f32 v18, v26;
	v16 =	vmax.f32 v16, $9.999999960e-13;
	v17 =	vmul.f32 v17, v17  }
0x7b: {  	v13 =	vadd.f32 v21, v13;
	v25 =	vld [tilespmem:s30+$0x4220];
	v16 =	vmin.f32 v16, $9.999999950e+11  }
0x7c: {  	v19 =	vsub.f32 v23, v19;
	v21 =	vld [tilespmem:s30+$0x10230];
	v18 =	vmul.f32 v18, v18;
	v17 =	vmax.f32 v17, $9.999999960e-13  }
0x7d: {  	v10 =	vadd.f32 v16, v10;
	v23 =	vld [tilespmem:s30+$0x4230];
	v16 =	vmin.f32 v17, $9.999999950e+11  }
0x7e: {  	v17 =	vmul.f32 v19, v19;
	v19 =	vsub.f32 v22, v20;
	v26 =	vld [tilespmem:s30+$0x10240];
	v18 =	vmax.f32 v18, $9.999999960e-13  }
0x7f: {  	v9 =	vadd.f32 v16, v9;
	v27 =	vld [tilespmem:s30+$0x4240];
	v18 =	vmin.f32 v18, $9.999999950e+11  }
.Ltmp1:
0x80: {  	v20 =	vmul.f32 v19, v19;
	v22 =	vsub.f32 v24, v25;
	v16 =	vld [tilespmem:s30+$0x10250];
	v8 =	vadd.f32 v18, v8;
	(pc) =	sbr.rel @p0 .LBB2_4-.Ltmp1, $4  }
0x81: {  	v18 =	vmax.f32 v17, $9.999999960e-13;
	v19 =	vld [tilespmem:s30+$0x4250]  }
0x82: {  	v20 =	vmax.f32 v20, $9.999999960e-13;
	v22 =	vmul.f32 v22, v22;
	v24 =	vsub.f32 v21, v23;
	v17 =	vld [tilespmem:s30+$0x10260]  }
0x83: {  	v23 =	vmin.f32 v18, $9.999999950e+11;
	v21 =	vmin.f32 v20, $9.999999950e+11;
	v20 =	vld [tilespmem:s30+$0x4260];
	s30 =	sshra.s32 s31, $0x2  }
0x84: {  	s31 =	sadd.s32 $0x200, s31;
	v18 =	vld [tilespmem:s30+$0x10270];
	v25 =	vmax.f32 v22, $9.999999960e-13;
	v22 =	vmul.f32 v24, v24;
	v24 =	vsub.f32 v26, v27  }
0x85: {  	v26 =	vld [tilespmem:s30+$0x4270]  }
0x86: {  	v27 =	vld [tilespmem:s30+$0x10200]  }
0x87: {  	v28 =	vld [tilespmem:s30+$0x4200]  }
0x88: {  	v29 =	vld [tilespmem:s30+$0x10210]  }
0x89: {  	v30 =	vld [tilespmem:s30+$0x4210]  }
0x8a: {  	v31 =	vld [tilespmem:s30+$0x10220]  }
0x8b: {  	v32 =	vld [tilespmem:s30+$0x4220]  }
0x8c: {  	v33 =	vld [tilespmem:s30+$0x10230]  }
0x8d: {  	v35 =	vld [tilespmem:s30+$0x10240]  }
0x8e: {  	v36 =	vld [tilespmem:s30+$0x4240];
	v12 =	vadd.f32 v23, v12;
	v23 =	vmin.f32 v25, $9.999999950e+11;
	v15 =	vadd.f32 v21, v15  }
0x8f: {  	v16 =	vsub.f32 v16, v19;
	v19 =	vld [tilespmem:s30+$0x10250];
	v21 =	vmul.f32 v24, v24;
	v22 =	vmax.f32 v22, $9.999999960e-13  }
0x90: {  	v14 =	vadd.f32 v23, v14;
	v23 =	vld [tilespmem:s30+$0x4250];
	v22 =	vmin.f32 v22, $9.999999950e+11  }
0x91: {  	v34 =	vld [tilespmem:s30+$0x4230];
	v16 =	vmul.f32 v16, v16;
	v17 =	vsub.f32 v17, v20;
	v21 =	vmax.f32 v21, $9.999999960e-13  }
0x92: {  	v24 =	vld [tilespmem:s30+$0x4260];
	v22 =	vadd.f32 v22, v11;
	v21 =	vmin.f32 v21, $9.999999950e+11  }
0x93: {  	v20 =	vld [tilespmem:s30+$0x10260];
	_ =	swait.ge [sflag:s25], $0x4000;
	v18 =	vsub.f32 v18, v26;
	v16 =	vmax.f32 v16, $9.999999960e-13;
	v17 =	vmul.f32 v17, v17  }
0x94: {  	[sflag:s25] =	ssyncset.done $0x0;
	v13 =	vadd.f32 v21, v13;
	v11 =	vmin.f32 v16, $9.999999950e+11;
	v16 =	vsub.f32 v27, v28  }
0x95: {  	[sflag:s25] =	ssyncadd.s32 $0xFFFFC000;
	v27 =	vsub.f32 v35, v36;
	v19 =	vsub.f32 v19, v23;
	v18 =	vmul.f32 v18, v18  }
0x96: {  	_ =	swait.ge [sflag:s26], $0x4000;
	v17 =	vmax.f32 v17, $9.999999960e-13;
	v21 =	vadd.f32 v11, v10;
	v11 =	vsub.f32 v29, v30  }
0x97: {  	[sflag:s26] =	ssyncset.done $0x0;
	v10 =	vmin.f32 v17, $9.999999950e+11;
	v16 =	vmul.f32 v16, v16;
	v17 =	vmax.f32 v18, $9.999999960e-13  }
0x98: {  	s31 =	simm.s32 $0x0;
	[sflag:s26] =	ssyncadd.s32 $0xFFFFC000;
	v18 =	vsub.f32 v31, v32;
	v25 =	vadd.f32 v10, v9;
	v9 =	vmul.f32 v11, v11  }
0x99: {  	v19 =	vmul.f32 v19, v19;
	v28 =	vld [tilespmem:s31+$0x14200];
	v17 =	vmin.f32 v17, $9.999999950e+11;
	v10 =	vmax.f32 v16, $9.999999960e-13  }
0x9a: {  	v16 =	vld [tilespmem:s31+$0x14270];
	v8 =	vadd.f32 v17, v8;
	v11 =	vmul.f32 v18, v18;
	v9 =	vmax.f32 v9, $9.999999960e-13  }
0x9b: {  	v17 =	vsub.f32 v33, v34;
	v10 =	vmin.f32 v10, $9.999999950e+11;
	v18 =	vld [tilespmem:s31+$0x8270];
	v26 =	vmin.f32 v9, $9.999999950e+11  }
0x9c: {  	v23 =	vld [tilespmem:s31+$0x14210];
	v9 =	vadd.f32 v10, v12;
	v12 =	vmul.f32 v27, v27;
	v11 =	vmax.f32 v11, $9.999999960e-13  }
0x9d: {  	v17 =	vmul.f32 v17, v17;
	v10 =	vadd.f32 v26, v15;
	v15 =	vld [tilespmem:s31+$0x8200];
	v11 =	vmin.f32 v11, $9.999999950e+11  }
0x9e: {  	v11 =	vadd.f32 v11, v14;
	v14 =	vsub.f32 v20, v24;
	v20 =	vld [tilespmem:s31+$0x8210]  }
0x9f: {  	v19 =	vmax.f32 v19, $9.999999960e-13;
	v27 =	vld [tilespmem:s31+$0x8230];
	v17 =	vmax.f32 v17, $9.999999960e-13;
	v24 =	vmax.f32 v12, $9.999999960e-13  }
0xa0: {  	v26 =	vld [tilespmem:s31+$0x14220];
	v17 =	vmin.f32 v17, $9.999999950e+11;
	v16 =	vsub.f32 v16, v18;
	v18 =	vmin.f32 v19, $9.999999950e+11  }
0xa1: {  	v12 =	vadd.f32 v17, v22;
	v17 =	vmin.f32 v24, $9.999999950e+11;
	v14 =	vmul.f32 v14, v14;
	v22 =	vld [tilespmem:s31+$0x8220]  }
0xa2: {  	v13 =	vadd.f32 v17, v13;
	v17 =	vld [tilespmem:s31+$0x14230];
	v19 =	vsub.f32 v28, v15;
	v16 =	vmul.f32 v16, v16  }
0xa3: {  	v15 =	vadd.f32 v18, v21;
	v14 =	vmax.f32 v14, $9.999999960e-13;
	v20 =	vsub.f32 v23, v20;
	v23 =	vld [tilespmem:s31+$0x14240]  }
0xa4: {  	v14 =	vmin.f32 v14, $9.999999950e+11;
	v18 =	vmul.f32 v19, v19;
	v19 =	vld [tilespmem:s31+$0x8240];
	v16 =	vmax.f32 v16, $9.999999960e-13  }
0xa5: {  	v14 =	vadd.f32 v14, v25;
	v16 =	vmin.f32 v16, $9.999999950e+11;
	v21 =	vmul.f32 v20, v20  }
0xa6: {  	v22 =	vsub.f32 v26, v22;
	v20 =	vimm.f32 $0.0e+00;
	v18 =	vmax.f32 v18, $9.999999960e-13  }
0xa7: {  	v24 =	vld [tilespmem:s31+$0x14250];
	v17 =	vsub.f32 v17, v27;
	v16 =	vadd.f32 v16, v20;
	v31 =	vmin.f32 v18, $9.999999950e+11  }
0xa8: {  	v27 =	vld [tilespmem:s31+$0x8250];
	v18 =	vimm.f32 $0.0e+00;
	v21 =	vmax.f32 v21, $9.999999960e-13;
	v22 =	vmul.f32 v22, v22  }
0xa9: {  	v28 =	vld [tilespmem:s31+$0x8260];
	v29 =	vmin.f32 v21, $9.999999950e+11;
	v30 =	vmul.f32 v17, v17;
	v32 =	vsub.f32 v23, v19  }
0xaa: {  	s30 =	simm.s32 $0x80;
	v25 =	vld [tilespmem:s31+$0x14260];
	v23 =	vimm.f32 $0.0e+00;
	v19 =	vimm.f32 $0.0e+00;
	v21 =	vimm.f32 $0.0e+00  }
0xab: {  	v26 =	vld [tilespmem:s30+$0x14270];
	s31 =	simm.s32 $0x400;
	v17 =	vimm.f32 $0.0e+00;
	v33 =	vmax.f32 v22, $9.999999960e-13;
	v22 =	vimm.f32 $0.0e+00  }
.LBB2_6:
0xac: {  	p0 =	sne.s32 s31, $0xFE00;
	v34 =	vld [tilespmem:s30+$0x8270];
	v20 =	vadd.f32 v31, v20;
	v23 =	vadd.f32 v29, v23;
	v29 =	vmin.f32 v33, $9.999999950e+11  }
0xad: {  	v31 =	vld [tilespmem:s30+$0x14200];
	v30 =	vmax.f32 v30, $9.999999960e-13;
	v32 =	vmul.f32 v32, v32;
	v24 =	vsub.f32 v24, v27  }
0xae: {  	v22 =	vadd.f32 v29, v22;
	v27 =	vld [tilespmem:s30+$0x8200];
	v29 =	vmin.f32 v30, $9.999999950e+11  }
0xaf: {  	v30 =	vld [tilespmem:s30+$0x14210];
	v32 =	vmax.f32 v32, $9.999999960e-13;
	v24 =	vmul.f32 v24, v24;
	v25 =	vsub.f32 v25, v28  }
0xb0: {  	v19 =	vadd.f32 v29, v19;
	v28 =	vld [tilespmem:s30+$0x8210];
	v29 =	vmin.f32 v32, $9.999999950e+11  }
0xb1: {  	v32 =	vld [tilespmem:s30+$0x14220];
	v26 =	vsub.f32 v26, v34;
	v24 =	vmax.f32 v24, $9.999999960e-13;
	v25 =	vmul.f32 v25, v25  }
0xb2: {  	v21 =	vadd.f32 v29, v21;
	v33 =	vld [tilespmem:s30+$0x8220];
	v24 =	vmin.f32 v24, $9.999999950e+11  }
0xb3: {  	v27 =	vsub.f32 v31, v27;
	v29 =	vld [tilespmem:s30+$0x14230];
	v26 =	vmul.f32 v26, v26;
	v25 =	vmax.f32 v25, $9.999999960e-13  }
0xb4: {  	v18 =	vadd.f32 v24, v18;
	v31 =	vld [tilespmem:s30+$0x8230];
	v24 =	vmin.f32 v25, $9.999999950e+11  }
0xb5: {  	v25 =	vmul.f32 v27, v27;
	v27 =	vsub.f32 v30, v28;
	v34 =	vld [tilespmem:s30+$0x14240];
	v26 =	vmax.f32 v26, $9.999999960e-13  }
0xb6: {  	v17 =	vadd.f32 v24, v17;
	v35 =	vld [tilespmem:s30+$0x8240];
	v26 =	vmin.f32 v26, $9.999999950e+11  }
.Ltmp2:
0xb7: {  	v28 =	vmul.f32 v27, v27;
	v30 =	vsub.f32 v32, v33;
	v24 =	vld [tilespmem:s30+$0x14250];
	v16 =	vadd.f32 v26, v16;
	(pc) =	sbr.rel @p0 .LBB2_6-.Ltmp2, $4  }
0xb8: {  	v26 =	vmax.f32 v25, $9.999999960e-13;
	v27 =	vld [tilespmem:s30+$0x8250]  }
0xb9: {  	v28 =	vmax.f32 v28, $9.999999960e-13;
	v30 =	vmul.f32 v30, v30;
	v32 =	vsub.f32 v29, v31;
	v25 =	vld [tilespmem:s30+$0x14260]  }
0xba: {  	v31 =	vmin.f32 v26, $9.999999950e+11;
	v29 =	vmin.f32 v28, $9.999999950e+11;
	v28 =	vld [tilespmem:s30+$0x8260];
	s30 =	sshra.s32 s31, $0x2  }
0xbb: {  	s31 =	sadd.s32 $0x200, s31;
	v26 =	vld [tilespmem:s30+$0x14270];
	v33 =	vmax.f32 v30, $9.999999960e-13;
	v30 =	vmul.f32 v32, v32;
	v32 =	vsub.f32 v34, v35  }
0xbc: {  	v34 =	vld [tilespmem:s30+$0x8270]  }
0xbd: {  	v35 =	vld [tilespmem:s30+$0x14200]  }
0xbe: {  	v36 =	vld [tilespmem:s30+$0x8200]  }
0xbf: {  	v37 =	vld [tilespmem:s30+$0x14210]  }
0xc0: {  	v38 =	vld [tilespmem:s30+$0x8210]  }
0xc1: {  	v39 =	vld [tilespmem:s30+$0x14220]  }
0xc2: {  	v40 =	vld [tilespmem:s30+$0x8220]  }
0xc3: {  	v41 =	vld [tilespmem:s30+$0x14230]  }
0xc4: {  	v43 =	vld [tilespmem:s30+$0x14240]  }
0xc5: {  	v44 =	vld [tilespmem:s30+$0x8240];
	v20 =	vadd.f32 v31, v20;
	v31 =	vmin.f32 v33, $9.999999950e+11;
	v23 =	vadd.f32 v29, v23  }
0xc6: {  	v24 =	vsub.f32 v24, v27;
	v27 =	vld [tilespmem:s30+$0x14250];
	v29 =	vmul.f32 v32, v32;
	v30 =	vmax.f32 v30, $9.999999960e-13  }
0xc7: {  	v22 =	vadd.f32 v31, v22;
	v31 =	vld [tilespmem:s30+$0x8250];
	v30 =	vmin.f32 v30, $9.999999950e+11  }
0xc8: {  	v42 =	vld [tilespmem:s30+$0x8230];
	v24 =	vmul.f32 v24, v24;
	v25 =	vsub.f32 v25, v28;
	v29 =	vmax.f32 v29, $9.999999960e-13  }
0xc9: {  	v56 =	vld [tilespmem:s30+$0x8260];
	v30 =	vadd.f32 v30, v19;
	v29 =	vmin.f32 v29, $9.999999950e+11  }
0xca: {  	v28 =	vld [tilespmem:s30+$0x14260];
	_ =	swait.ge [sflag:s20], $0x4000;
	v26 =	vsub.f32 v26, v34;
	v24 =	vmax.f32 v24, $9.999999960e-13;
	v25 =	vmul.f32 v25, v25  }
0xcb: {  	[sflag:s20] =	ssyncset.done $0x0;
	v21 =	vadd.f32 v29, v21;
	v59 =	vsub.f32 v43, v44;
	v19 =	vmin.f32 v24, $9.999999950e+11  }
0xcc: {  	[sflag:s20] =	ssyncadd.s32 $0xFFFFC000;
	v24 =	vsub.f32 v35, v36;
	v27 =	vsub.f32 v27, v31;
	v26 =	vmul.f32 v26, v26  }
0xcd: {  	_ =	swait.ge [sflag:s21], $0x4000;
	v25 =	vmax.f32 v25, $9.999999960e-13;
	v29 =	vadd.f32 v19, v18;
	v19 =	vsub.f32 v37, v38  }
0xce: {  	[sflag:s21] =	ssyncset.done $0x0;
	v18 =	vmin.f32 v25, $9.999999950e+11;
	v24 =	vmul.f32 v24, v24;
	v25 =	vmax.f32 v26, $9.999999960e-13  }
0xcf: {  	s31 =	simm.s32 $0x0;
	[sflag:s21] =	ssyncadd.s32 $0xFFFFC000;
	v26 =	vsub.f32 v39, v40;
	v57 =	vadd.f32 v18, v17;
	v17 =	vmul.f32 v19, v19  }
0xd0: {  	v27 =	vmul.f32 v27, v27;
	v60 =	vld [tilespmem:s31+$0xC200];
	v25 =	vmin.f32 v25, $9.999999950e+11;
	v18 =	vmax.f32 v24, $9.999999960e-13  }
0xd1: {  	v24 =	vld [tilespmem:s31+$0xC270];
	v16 =	vadd.f32 v25, v16;
	v19 =	vmul.f32 v26, v26;
	v17 =	vmax.f32 v17, $9.999999960e-13  }
0xd2: {  	v25 =	vsub.f32 v41, v42;
	v18 =	vmin.f32 v18, $9.999999950e+11;
	v26 =	vld [tilespmem:s31+$0x270];
	v58 =	vmin.f32 v17, $9.999999950e+11  }
0xd3: {  	v31 =	vld [tilespmem:s31+$0xC210];
	v17 =	vadd.f32 v18, v20;
	v20 =	vmul.f32 v59, v59;
	v19 =	vmax.f32 v19, $9.999999960e-13  }
0xd4: {  	v25 =	vmul.f32 v25, v25;
	v18 =	vadd.f32 v58, v23;
	v23 =	vld [tilespmem:s31+$0x200];
	v19 =	vmin.f32 v19, $9.999999950e+11  }
0xd5: {  	v19 =	vadd.f32 v19, v22;
	v22 =	vsub.f32 v28, v56;
	v28 =	vld [tilespmem:s31+$0x210]  }
0xd6: {  	v62 =	vld [tilespmem:s31+$0xC220];
	v27 =	vmax.f32 v27, $9.999999960e-13;
	v61 =	vmax.f32 v20, $9.999999960e-13;
	v25 =	vmax.f32 v25, $9.999999960e-13  }
0xd7: {  	v63 =	vld [tilespmem:s31+$0x230];
	v25 =	vmin.f32 v25, $9.999999950e+11;
	v24 =	vsub.f32 v24, v26;
	v26 =	vmin.f32 v27, $9.999999950e+11  }
0xd8: {  	v20 =	vadd.f32 v25, v30;
	v25 =	vmin.f32 v61, $9.999999950e+11;
	v22 =	vmul.f32 v22, v22;
	v30 =	vld [tilespmem:s31+$0x220]  }
0xd9: {  	v21 =	vadd.f32 v25, v21;
	v25 =	vld [tilespmem:s31+$0xC230];
	v27 =	vsub.f32 v60, v23;
	v24 =	vmul.f32 v24, v24  }
0xda: {  	v23 =	vadd.f32 v26, v29;
	v22 =	vmax.f32 v22, $9.999999960e-13;
	v28 =	vsub.f32 v31, v28;
	v31 =	vld [tilespmem:s31+$0xC240]  }
0xdb: {  	v22 =	vmin.f32 v22, $9.999999950e+11;
	v26 =	vmul.f32 v27, v27;
	v27 =	vld [tilespmem:s31+$0x240];
	v24 =	vmax.f32 v24, $9.999999960e-13  }
0xdc: {  	v22 =	vadd.f32 v22, v57;
	v24 =	vmin.f32 v24, $9.999999950e+11;
	v29 =	vmul.f32 v28, v28  }
0xdd: {  	v30 =	vsub.f32 v62, v30;
	v28 =	vimm.f32 $0.0e+00;
	v26 =	vmax.f32 v26, $9.999999960e-13  }
0xde: {  	v32 =	vld [tilespmem:s31+$0xC250];
	v25 =	vsub.f32 v25, v63;
	v24 =	vadd.f32 v24, v28;
	v38 =	vmin.f32 v26, $9.999999950e+11  }
0xdf: {  	v35 =	vld [tilespmem:s31+$0x250];
	v26 =	vimm.f32 $0.0e+00;
	v29 =	vmax.f32 v29, $9.999999960e-13;
	v30 =	vmul.f32 v30, v30  }
0xe0: {  	v33 =	vld [tilespmem:s31+$0xC260];
	v37 =	vmin.f32 v29, $9.999999950e+11;
	v39 =	vmul.f32 v25, v25;
	v40 =	vsub.f32 v31, v27  }
0xe1: {  	s30 =	simm.s32 $0x80;
	v36 =	vld [tilespmem:s31+$0x260];
	v31 =	vimm.f32 $0.0e+00;
	v29 =	vimm.f32 $0.0e+00;
	v27 =	vimm.f32 $0.0e+00  }
0xe2: {  	v34 =	vld [tilespmem:s30+$0xC270];
	s31 =	simm.s32 $0x400;
	v25 =	vimm.f32 $0.0e+00;
	v41 =	vmax.f32 v30, $9.999999960e-13;
	v30 =	vimm.f32 $0.0e+00  }
.LBB2_8:
0xe3: {  	p0 =	sne.s32 s31, $0xFE00;
	v42 =	vld [tilespmem:s30+$0x270];
	v28 =	vadd.f32 v38, v28;
	v31 =	vadd.f32 v37, v31;
	v37 =	vmin.f32 v41, $9.999999950e+11  }
0xe4: {  	v38 =	vld [tilespmem:s30+$0xC200];
	v39 =	vmax.f32 v39, $9.999999960e-13;
	v40 =	vmul.f32 v40, v40;
	v32 =	vsub.f32 v32, v35  }
0xe5: {  	v30 =	vadd.f32 v37, v30;
	v35 =	vld [tilespmem:s30+$0x200];
	v37 =	vmin.f32 v39, $9.999999950e+11  }
0xe6: {  	v39 =	vld [tilespmem:s30+$0xC210];
	v40 =	vmax.f32 v40, $9.999999960e-13;
	v32 =	vmul.f32 v32, v32;
	v33 =	vsub.f32 v33, v36  }
0xe7: {  	v29 =	vadd.f32 v37, v29;
	v36 =	vld [tilespmem:s30+$0x210];
	v37 =	vmin.f32 v40, $9.999999950e+11  }
0xe8: {  	v40 =	vld [tilespmem:s30+$0xC220];
	v34 =	vsub.f32 v34, v42;
	v32 =	vmax.f32 v32, $9.999999960e-13;
	v33 =	vmul.f32 v33, v33  }
0xe9: {  	v27 =	vadd.f32 v37, v27;
	v41 =	vld [tilespmem:s30+$0x220];
	v32 =	vmin.f32 v32, $9.999999950e+11  }
0xea: {  	v35 =	vsub.f32 v38, v35;
	v37 =	vld [tilespmem:s30+$0xC230];
	v34 =	vmul.f32 v34, v34;
	v33 =	vmax.f32 v33, $9.999999960e-13  }
0xeb: {  	v26 =	vadd.f32 v32, v26;
	v38 =	vld [tilespmem:s30+$0x230];
	v32 =	vmin.f32 v33, $9.999999950e+11  }
0xec: {  	v33 =	vmul.f32 v35, v35;
	v35 =	vsub.f32 v39, v36;
	v42 =	vld [tilespmem:s30+$0xC240];
	v34 =	vmax.f32 v34, $9.999999960e-13  }
0xed: {  	v25 =	vadd.f32 v32, v25;
	v43 =	vld [tilespmem:s30+$0x240];
	v34 =	vmin.f32 v34, $9.999999950e+11  }
.Ltmp3:
0xee: {  	v36 =	vmul.f32 v35, v35;
	v39 =	vsub.f32 v40, v41;
	v32 =	vld [tilespmem:s30+$0xC250];
	v24 =	vadd.f32 v34, v24;
	(pc) =	sbr.rel @p0 .LBB2_8-.Ltmp3, $4  }
0xef: {  	v34 =	vmax.f32 v33, $9.999999960e-13;
	v35 =	vld [tilespmem:s30+$0x250]  }
0xf0: {  	v36 =	vmax.f32 v36, $9.999999960e-13;
	v39 =	vmul.f32 v39, v39;
	v40 =	vsub.f32 v37, v38;
	v33 =	vld [tilespmem:s30+$0xC260]  }
0xf1: {  	v38 =	vmin.f32 v34, $9.999999950e+11;
	v37 =	vmin.f32 v36, $9.999999950e+11;
	v36 =	vld [tilespmem:s30+$0x260];
	s30 =	sshra.s32 s31, $0x2  }
0xf2: {  	s31 =	sadd.s32 $0x200, s31;
	v34 =	vld [tilespmem:s30+$0xC270];
	v41 =	vmax.f32 v39, $9.999999960e-13;
	v39 =	vmul.f32 v40, v40;
	v40 =	vsub.f32 v42, v43  }
0xf3: {  	v42 =	vld [tilespmem:s30+$0x270]  }
0xf4: {  	v43 =	vld [tilespmem:s30+$0xC200]  }
0xf5: {  	v44 =	vld [tilespmem:s30+$0x200]  }
0xf6: {  	v45 =	vld [tilespmem:s30+$0xC210]  }
0xf7: {  	v50 =	vld [tilespmem:s30+$0x210]  }
0xf8: {  	v52 =	vld [tilespmem:s30+$0xC220]  }
0xf9: {  	v53 =	vld [tilespmem:s30+$0x220]  }
0xfa: {  	v28 =	vadd.f32 v38, v28;
	v54 =	vld [tilespmem:s30+$0xC230]  }
0xfb: {  	v31 =	vadd.f32 v37, v31;
	v51 =	vmin.f32 v41, $9.999999950e+11;
	v56 =	vld [tilespmem:s30+$0x230];
	v1 =	vadd.f32 v2, v1  }
0xfc: {  	v58 =	vld [tilespmem:s30+$0xC240];
	v32 =	vsub.f32 v32, v35;
	v39 =	vmax.f32 v39, $9.999999960e-13;
	v40 =	vmul.f32 v40, v40  }
0xfd: {  	v59 =	vld [tilespmem:s30+$0x240];
	v30 =	vadd.f32 v51, v30;
	v39 =	vmin.f32 v39, $9.999999950e+11;
	v1 =	vadd.f32 v3, v1  }
0xfe: {  	v32 =	vmul.f32 v32, v32;
	v33 =	vsub.f32 v33, v36;
	v29 =	vadd.f32 v39, v29  }
0xff: {  	v55 =	vmax.f32 v40, $9.999999960e-13;
	v1 =	vadd.f32 v4, v1;
	v34 =	vsub.f32 v34, v42  }
0x100: {  	v60 =	vld [tilespmem:s30+$0xC250];
	v39 =	vmin.f32 v55, $9.999999950e+11;
	v57 =	vsub.f32 v43, v44;
	v38 =	vsub.f32 v45, v50  }
0x101: {  	v62 =	vld [tilespmem:s30+$0x250];
	v32 =	vmax.f32 v32, $9.999999960e-13;
	v27 =	vadd.f32 v39, v27;
	v63 =	vsub.f32 v52, v53  }
0x102: {  	v33 =	vmul.f32 v33, v33;
	v36 =	vsub.f32 v54, v56;
	v47 =	vsub.f32 v58, v59  }
0x103: {  	v50 =	vadd.f32 v10, v9;
	v54 =	vadd.f32 v18, v17;
	v32 =	vmin.f32 v32, $9.999999950e+11  }
0x104: {  	v1 =	vadd.f32 v5, v1;
	v33 =	vmax.f32 v33, $9.999999960e-13;
	v61 =	vmul.f32 v57, v57  }
0x105: {  	v26 =	vadd.f32 v32, v26;
	v38 =	vmul.f32 v38, v38;
	v36 =	vmul.f32 v36, v36  }
0x106: {  	v32 =	vsub.f32 v60, v62;
	v48 =	vmul.f32 v47, v47;
	v2 =	vadd.f32 v11, v50  }
0x107: {  	v46 =	vld [tilespmem:s30+$0x260];
	v55 =	vadd.f32 v19, v54;
	v58 =	vmul.f32 v34, v34;
	v33 =	vmin.f32 v33, $9.999999950e+11  }
0x108: {  	v44 =	vld [tilespmem:s30+$0xC260];
	v1 =	vadd.f32 v7, v1;
	v25 =	vadd.f32 v33, v25;
	v45 =	vmax.f32 v61, $9.999999960e-13  }
0x109: {  	v38 =	vmax.f32 v38, $9.999999960e-13;
	v33 =	vmul.f32 v63, v63;
	v36 =	vmax.f32 v36, $9.999999960e-13  }
0x10a: {  	v32 =	vmul.f32 v32, v32;
	v49 =	vmax.f32 v48, $9.999999960e-13;
	v2 =	vadd.f32 v12, v2  }
0x10b: {  	v4 =	vadd.f32 v20, v55;
	v37 =	vmin.f32 v45, $9.999999950e+11;
	v38 =	vmin.f32 v38, $9.999999950e+11  }
0x10c: {  	v28 =	vadd.f32 v37, v28;
	v33 =	vmax.f32 v33, $9.999999960e-13;
	v31 =	vadd.f32 v38, v31  }
0x10d: {  	v35 =	vsub.f32 v44, v46;
	v1 =	vadd.f32 v6, v1;
	v33 =	vmin.f32 v33, $9.999999950e+11  }
0x10e: {  	v36 =	vmin.f32 v36, $9.999999950e+11;
	v30 =	vadd.f32 v33, v30;
	v56 =	vadd.f32 v31, v28  }
0x10f: {  	v29 =	vadd.f32 v36, v29;
	v32 =	vmax.f32 v32, $9.999999960e-13;
	v2 =	vadd.f32 v13, v2  }
0x110: {  	v4 =	vadd.f32 v21, v4;
	v35 =	vmul.f32 v35, v35;
	v57 =	vadd.f32 v30, v56  }
0x111: {  	v0 =	vadd.f32 v0, v1;
	v33 =	vmin.f32 v49, $9.999999950e+11;
	v2 =	vadd.f32 v15, v2  }
0x112: {  	v32 =	vmin.f32 v32, $9.999999950e+11;
	v51 =	vadd.f32 v33, v27;
	v5 =	vadd.f32 v29, v57  }
0x113: {  	v26 =	vadd.f32 v32, v26;
	v4 =	vadd.f32 v23, v4;
	v52 =	vmax.f32 v35, $9.999999960e-13  }
0x114: {  	v10 =	vmin.f32 v52, $9.999999950e+11;
	v2 =	vadd.f32 v14, v2;
	v5 =	vadd.f32 v51, v5  }
0x115: {  	v59 =	vmax.f32 v58, $9.999999960e-13;
	v4 =	vadd.f32 v22, v4;
	v53 =	vadd.f32 v10, v25  }
0x116: {  	v61 =	vmin.f32 v59, $9.999999950e+11;
	v60 =	vadd.f32 v8, v2;
	v5 =	vadd.f32 v26, v5  }
0x117: {  	v2 =	vadd.f32 v61, v24;
	v62 =	vadd.f32 v16, v4  }
0x118: {  	v0 =	vadd.f32 v60, v0;
	v3 =	vadd.f32 v53, v5;
	_ =	sdelay $0x1  }
0x119: {  	v0 =	vadd.f32 v62, v0;
	v63 =	vadd.f32 v2, v3;
	_ =	sdelay $0x1  }
0x11a: {  	v0 =	vadd.f32 v63, v0;
	_ =	sdelay $0x1  }
0x11b: {  	s29 =	sadd.s32 $0x1, s29;
	v0 =	vmul.f32 $6.103515630e-05, v0  }
0x11c: {  	p0 =	sne.s32 s29, s10  }
.Ltmp4:
0x11d: {  	[tilespmem:$0x18200] =	vst v0;
	(pc) =	sbr.rel @p0 .LBB2_1-.Ltmp4, $4  }
0x11e: {  	[hbm4b:s9+s3] =	stream.linear.scatter [tilespmem:s28], [sflag:$0x7], $0x80, $0x38;
	[tilespmem:$0x18280] =	vst v63  }
0x11f: {  	_ =	swait.ge [sflag:s11], $0x80  }
0x120: {  	[sflag:s11] =	ssyncset.done $0x0  }
0x121: {  	[sflag:s11] =	ssyncadd.s32 $0xFFFFFF80  }
0x122: {  	_ =	sfence.sel $0x180000  }
0x123: {  	[bflag:$0x0] =	sbarrier.arrive $0xFFFF  }
0x124: {  	p0 =	sne.s32 s2, $0x0;
	_ =	strace $0x90000047  }
0x125: {  	s0 =	sadd.s32 @!p0 $0x100000, s0;
	[bflag:$0x2] =	sbarrier.arrive $0xFFFF  }
0x126: {  	[sflag:s0] =	ssyncadd.tile.s32 @!p0 $0x1;
	_ =	shalt  }
.Lfunc_end2:
_tile_overlayer_lowered:
.L_overlay_start_2:
0x127: {  	(tag) =	ssettag $0x2  }
0x128: {  	s0 =	rddreg [dreg:$0x0];
	s2 =	stileid.u32  }
0x129: {  	s1 =	rddreg [dreg:$0x1];
	p0 =	sne.s32 s2, $0x0  }
0x12a: {  	s3 =	rddreg [dreg:$0x2];
	[bflag:$0x3] =	sbarrier.arrive $0xFFFF;
	s2 =	simm.s32 @!p0 $0x1C07  }
0x12b: {  	[timem:s3], [sflag:s2] =	dma.local @!p0 [hbm:s0], s1  }
0x12c: {  	s0 =	simm.s32 @!p0 $0x7  }
0x12d: {  	_ =	swait.ge @!p0 [sflag:s0], s1  }
0x12e: {  	s1 =	ssub.s32 @!p0 $0x0, s1;
	[sflag:s0] =	ssyncset.done @!p0 $0x0  }
0x12f: {  	[sflag:s0] =	ssyncadd.s32 @!p0 s1  }
0x130: {  	[bflag:$0x3] =	sbarrier.arrive $0xFFFF  }
0x131: {  	_ =	shalt  }

</sc_bundles>
